<compile_context>
chip_gen: v7x
topology: tpu7x:2x2x1
jax: 0.10.2.dev20260603
libtpu: 0.0.44.dev20260713+nightly
codegen_flags: <defaults>
</compile_context>

<pallas_src>
import functools

import jax
import jax.numpy as jnp
from jax import lax
from jax.experimental import pallas as pl
from jax.experimental.pallas import tpu as pltpu
from jax.experimental.pallas import tpu_sc as plsc

NC = 2
NS = 16
NW = NC * NS
K = 80


def _make_count_kernel(NP, C):
    stripe = NP // NS
    mesh = plsc.VectorSubcoreMesh(core_axis_name="c", subcore_axis_name="s")

    @functools.partial(
        pl.kernel,
        out_type=jax.ShapeDtypeStruct((NC, NP), jnp.float32),
        mesh=mesh,
        scratch_types=[
            pltpu.VMEM((C, K), jnp.int32),
            pltpu.VMEM((stripe,), jnp.float32),
            pltpu.VMEM((K,), jnp.float32),
            pltpu.VMEM_SHARED((NP,), jnp.float32),
        ],
    )
    def count_kernel(edges_hbm, cnt_hbm, cidx_v, zb_v, ones_v, acc):
        cid = lax.axis_index("c")
        sid = lax.axis_index("s")
        wid = cid * NS + sid

        def zfill(i, carry):
            zb_v[pl.ds(i * 16, 16)] = jnp.zeros((16,), jnp.float32)
            return carry

        lax.fori_loop(0, stripe // 16, zfill, 0)
        for i in range(K // 16):
            ones_v[pl.ds(i * 16, 16)] = jnp.ones((16,), jnp.float32)
        pltpu.sync_copy(zb_v, acc.at[pl.ds(sid * stripe, stripe)])
        plsc.subcore_barrier()

        pltpu.sync_copy(edges_hbm.at[1, wid], cidx_v)

        def body(j, carry):
            pltpu.sync_copy(ones_v, acc.at[cidx_v.at[j]], add=True)
            return carry

        lax.fori_loop(0, C, body, 0)
        plsc.subcore_barrier()
        pltpu.sync_copy(acc.at[pl.ds(sid * stripe, stripe)],
                        cnt_hbm.at[cid, pl.ds(sid * stripe, stripe)])

    return count_kernel


def _make_scatter_kernel(D, NP, C):
    stripe = NP // NS
    mesh = plsc.VectorSubcoreMesh(core_axis_name="c", subcore_axis_name="s")

    @functools.partial(
        pl.kernel,
        out_type=jax.ShapeDtypeStruct((NC, NP, D), jnp.float32),
        mesh=mesh,
        scratch_types=[
            pltpu.VMEM((C * K,), jnp.int32),
            pltpu.VMEM((C, K), jnp.int32),
            pltpu.VMEM((K, D), jnp.float32),
            pltpu.VMEM((K, D), jnp.float32),
            pltpu.VMEM_SHARED((NP, D), jnp.float32),
            pltpu.SemaphoreType.DMA,
            pltpu.SemaphoreType.DMA,
        ],
    )
    def scatter_kernel(g_hbm, erow_hbm, ecol_hbm, out_hbm,
                       ridx_v, cidx_v, gb0, gb1, acc, sem0, sem1):
        cid = lax.axis_index("c")
        sid = lax.axis_index("s")
        wid = cid * NS + sid

        def zrow(r, carry):
            for cc in range(D // 16):
                gb0[r, pl.ds(cc * 16, 16)] = jnp.zeros((16,), jnp.float32)
            return carry

        lax.fori_loop(0, K, zrow, 0)
        for t in range(stripe // K):
            pltpu.sync_copy(gb0, acc.at[pl.ds(sid * stripe + t * K, K)])
        plsc.subcore_barrier()

        pltpu.sync_copy(erow_hbm.at[0, wid], ridx_v)
        pltpu.sync_copy(ecol_hbm.at[1, wid], cidx_v)

        def rslice(j):
            return ridx_v.at[pl.ds(j * K, K)]

        pltpu.async_copy(g_hbm.at[rslice(0)], gb0, sem0)

        def body(i, carry):
            j0 = 2 * i
            pltpu.async_copy(g_hbm.at[rslice(j0 + 1)], gb1, sem1)
            pltpu.make_async_copy(g_hbm.at[rslice(j0)], gb0, sem0).wait()
            pltpu.sync_copy(gb0, acc.at[cidx_v.at[j0]], add=True)
            pltpu.async_copy(g_hbm.at[rslice(j0 + 2)], gb0, sem0)
            pltpu.make_async_copy(g_hbm.at[rslice(j0 + 1)], gb1, sem1).wait()
            pltpu.sync_copy(gb1, acc.at[cidx_v.at[j0 + 1]], add=True)
            return carry

        lax.fori_loop(0, (C - 1) // 2, body, 0)
        pltpu.make_async_copy(g_hbm.at[rslice(C - 1)], gb0, sem0).wait()
        pltpu.sync_copy(gb0, acc.at[cidx_v.at[C - 1]], add=True)
        plsc.subcore_barrier()
        for t in range(stripe // K):
            pltpu.sync_copy(acc.at[pl.ds(sid * stripe + t * K, K)],
                            out_hbm.at[cid, pl.ds(sid * stripe + t * K, K)])

    return scatter_kernel


def _tc_transform(x, W, cnt3):
    N, D = x.shape
    BN = 1000
    grid = N // BN

    def body(x_ref, w_ref, cnt_ref, g_ref, dinv_ref):
        deg = cnt_ref[0] + cnt_ref[1] + 2.0
        dinv = lax.rsqrt(deg)
        h = jnp.dot(x_ref[...], w_ref[...], preferred_element_type=jnp.float32)
        g_ref[...] = h * dinv
        dinv_ref[...] = dinv

    return pl.pallas_call(
        body,
        grid=(grid,),
        in_specs=[
            pl.BlockSpec((BN, D), lambda i: (i, 0)),
            pl.BlockSpec((D, D), lambda i: (0, 0)),
            pl.BlockSpec((NC, BN, 1), lambda i: (0, i, 0)),
        ],
        out_specs=[
            pl.BlockSpec((BN, D), lambda i: (i, 0)),
            pl.BlockSpec((BN, 1), lambda i: (i, 0)),
        ],
        out_shape=[
            jax.ShapeDtypeStruct((N, D), jnp.float32),
            jax.ShapeDtypeStruct((N, 1), jnp.float32),
        ],
    )(x, W, cnt3)


def _tc_finish(s, g, x, dinv, b2, gamma2, beta2):
    N, D = x.shape

    def body(s_ref, g_ref, x_ref, dinv_ref, b_ref, gm_ref, bt_ref, out_ref):
        ssum = s_ref[0, :N, :] + s_ref[1, :N, :]
        agg = dinv_ref[...] * (ssum + 2.0 * g_ref[...]) + b_ref[...]
        mean = jnp.mean(agg, axis=0, keepdims=True)
        cent = agg - mean
        var = jnp.mean(cent * cent, axis=0, keepdims=True)
        y = cent * lax.rsqrt(var + 1e-5) * gm_ref[...] + bt_ref[...]
        out_ref[...] = jnp.maximum(y, 0.0) + x_ref[...]

    return pl.pallas_call(
        body,
        out_shape=jax.ShapeDtypeStruct((N, D), jnp.float32),
    )(s, g, x, dinv, b2, gamma2, beta2)


def kernel(x, edge_index, W, b, gamma, beta):
    N, D = x.shape
    E = edge_index.shape[1]
    NP = 10240
    EPW = E // NW
    C = EPW // K

    e3 = edge_index.reshape(2, NW, C * K)
    e4 = edge_index.reshape(2, NW, C, K)

    cnt = _make_count_kernel(NP, C)(e4)
    g, dinv = _tc_transform(x, W, cnt.reshape(NC, NP, 1))
    s = _make_scatter_kernel(D, NP, C)(g, e3, e4)
    return _tc_finish(s, g, x, dinv,
                      b.reshape(1, D), gamma.reshape(1, D), beta.reshape(1, D))

# --- scband reference (transcript-rebuilt; emitter-appended) ---
"""Pipeline reference for scband-residual-gcnblock-2576980377706 (READ-ONLY COPY).

The authoritative reference and input builder live on the scoring server;
editing this copy changes nothing except your own understanding.
"""

import jax, jax.numpy as jnp
import numpy as np

N = 10000
E = 320000
D = 128


def setup_inputs(seed: int = 0) -> dict:
    key = jax.random.key(seed)
    k1, k2, k3, k4, k5, k6 = jax.random.split(key, 6)
    x = jax.random.normal(k1, (N, D), dtype=jnp.float32)
    edge_index = jax.random.randint(k2, (2, E), 0, N, dtype=jnp.int32)
    # GCNConv parameters (glorot-style init)
    W = jax.random.normal(k3, (D, D), dtype=jnp.float32) * (1.0 / np.sqrt(D))
    b = jnp.zeros((D,), dtype=jnp.float32)
    # BatchNorm parameters
    gamma = jnp.ones((D,), dtype=jnp.float32)
    beta = jnp.zeros((D,), dtype=jnp.float32)
    return {"x": x, "edge_index": edge_index, "W": W, "b": b, "gamma": gamma, "beta": beta}


def reference(x, edge_index, W, b, gamma, beta):
    n = x.shape[0]
    row, col = edge_index[0], edge_index[1]
    ew = jnp.ones((edge_index.shape[1],), dtype=x.dtype)
    # add self-loops; improved=True -> fill_value = 2.0
    loop = jnp.arange(n, dtype=edge_index.dtype)
    row_f = jnp.concatenate([row, loop])
    col_f = jnp.concatenate([col, loop])
    ew_f = jnp.concatenate([ew, jnp.full((n,), 2.0, dtype=x.dtype)])
    # symmetric normalization (gcn_norm)
    deg = jnp.zeros((n,), dtype=x.dtype).at[col_f].add(ew_f)
    dinv = jnp.where(deg > 0, 1.0 / jnp.sqrt(deg), 0.0)
    norm = dinv[row_f] * ew_f * dinv[col_f]
    # linear transform then propagate (gather source, scatter-add to dst)
    h = x @ W
    msg = h[row_f] * norm[:, None]
    agg = jnp.zeros((n, h.shape[1]), dtype=x.dtype).at[col_f].add(msg)
    agg = agg + b
    # BatchNorm (training-mode batch statistics over nodes)
    mean = jnp.mean(agg, axis=0)
    var = jnp.var(agg, axis=0)
    out = (agg - mean) / jnp.sqrt(var + 1e-5) * gamma + beta
    out = jax.nn.relu(out)
    # dropout is identity in eval / for deterministic reference
    # dim_in == dim_out -> res_proj is None, identity residual
    return out + x

if __name__ == "__main__":
    import jax
    _d = setup_inputs()
    print(jax.jit(kernel)(*tuple(_d.values())))

</pallas_src>

<mosaic_0001>
#map = affine_map<(d0, d1) -> (0, 0)>
#map1 = affine_map<(d0, d1) -> (0, 0, 0)>
#map2 = affine_map<(d0, d1) -> (0, 0, 0, 0)>
module attributes {stable_mosaic.version = 14 : i64} {
  func.func @scatter_kernel(%arg0: i32, %arg1: i32, %arg2: memref<10000x128xf32, #tpu.memory_space<hbm>>, %arg3: memref<2x32x10000xi32, #tpu.memory_space<hbm>>, %arg4: memref<2x32x125x80xi32, #tpu.memory_space<hbm>>, %arg5: memref<2x10240x128xf32, #tpu.memory_space<hbm>>, %arg6: memref<10000xi32, #tpu.memory_space<vmem>>, %arg7: memref<125x80xi32, #tpu.memory_space<vmem>>, %arg8: memref<80x128xf32, #tpu.memory_space<vmem>>, %arg9: memref<80x128xf32, #tpu.memory_space<vmem>>, %arg10: memref<10240x128xf32, #tpu.memory_space<vmem_shared>>, %arg11: memref<!tpu.dma_semaphore, #tpu.memory_space<semaphore_mem>>, %arg12: memref<!tpu.dma_semaphore, #tpu.memory_space<semaphore_mem>>) attributes {dimension_semantics = [#tpu.dimension_semantics<core_parallel>, #tpu.dimension_semantics<subcore_parallel>], iteration_bounds = array<i64: 2, 16>, scalar_prefetch = 0 : i64, scratch_operands = 7 : i64, tpu.core_type = #tpu.core_type<sc_vector_subcore>, window_params = [{transform_indices = #map}, {transform_indices = #map1}, {transform_indices = #map2}, {transform_indices = #map1}]} {
    %mul3A = arith.constant 16 : i32
    %mul3A_0 = arith.muli %arg0, %mul3A : i32
    %add3A = arith.addi %mul3A_0, %arg1 : i32
    %scan3A = arith.constant 0 : i32
    %scan3A_1 = arith.constant 0 : i32
    %scan3A_2 = arith.constant 80 : i32
    %scan3A_3 = arith.addi %scan3A_1, %scan3A_2 : i32
    %scan3A_4 = arith.constant 1 : i32
    scf.for %scan3A_119 = %scan3A_1 to %scan3A_3 step %scan3A_4  : i32 {
      %broadcast_in_dim3A = arith.constant 0.000000e+00 : f32
      %broadcast_in_dim3A_120 = vector.broadcast %broadcast_in_dim3A : f32 to vector<16xf32>
      %swap3A = arith.index_cast %scan3A_119 : i32 to index
      %swap3A_121 = arith.constant 0 : index
      %swap3A_122 = tpu.vector_load %arg8[%swap3A, %swap3A_121] {strides = array<i32>} : memref<80x128xf32, #tpu.memory_space<vmem>>, vector<1x16xf32>,
      %swap3A_123 = vector.shape_cast %swap3A_122 : vector<1x16xf32> to vector<16xf32>
      %swap3A_124 = vector.shape_cast %broadcast_in_dim3A_120 : vector<16xf32> to vector<1x16xf32>
      tpu.vector_store %arg8[%swap3A, %swap3A_121], %swap3A_124 {strides = array<i32>} : memref<80x128xf32, #tpu.memory_space<vmem>>, vector<1x16xf32>,
      %broadcast_in_dim3A_125 = arith.constant 0.000000e+00 : f32
      %broadcast_in_dim3A_126 = vector.broadcast %broadcast_in_dim3A_125 : f32 to vector<16xf32>
      %swap3A_127 = arith.index_cast %scan3A_119 : i32 to index
      %swap3A_128 = arith.constant 16 : index
      %swap3A_129 = tpu.vector_load %arg8[%swap3A_127, %swap3A_128] {strides = array<i32>} : memref<80x128xf32, #tpu.memory_space<vmem>>, vector<1x16xf32>,
      %swap3A_130 = vector.shape_cast %swap3A_129 : vector<1x16xf32> to vector<16xf32>
      %swap3A_131 = vector.shape_cast %broadcast_in_dim3A_126 : vector<16xf32> to vector<1x16xf32>
      tpu.vector_store %arg8[%swap3A_127, %swap3A_128], %swap3A_131 {strides = array<i32>} : memref<80x128xf32, #tpu.memory_space<vmem>>, vector<1x16xf32>,
      %broadcast_in_dim3A_132 = arith.constant 0.000000e+00 : f32
      %broadcast_in_dim3A_133 = vector.broadcast %broadcast_in_dim3A_132 : f32 to vector<16xf32>
      %swap3A_134 = arith.index_cast %scan3A_119 : i32 to index
      %swap3A_135 = arith.constant 32 : index
      %swap3A_136 = tpu.vector_load %arg8[%swap3A_134, %swap3A_135] {strides = array<i32>} : memref<80x128xf32, #tpu.memory_space<vmem>>, vector<1x16xf32>,
      %swap3A_137 = vector.shape_cast %swap3A_136 : vector<1x16xf32> to vector<16xf32>
      %swap3A_138 = vector.shape_cast %broadcast_in_dim3A_133 : vector<16xf32> to vector<1x16xf32>
      tpu.vector_store %arg8[%swap3A_134, %swap3A_135], %swap3A_138 {strides = array<i32>} : memref<80x128xf32, #tpu.memory_space<vmem>>, vector<1x16xf32>,
      %broadcast_in_dim3A_139 = arith.constant 0.000000e+00 : f32
      %broadcast_in_dim3A_140 = vector.broadcast %broadcast_in_dim3A_139 : f32 to vector<16xf32>
      %swap3A_141 = arith.index_cast %scan3A_119 : i32 to index
      %swap3A_142 = arith.constant 48 : index
      %swap3A_143 = tpu.vector_load %arg8[%swap3A_141, %swap3A_142] {strides = array<i32>} : memref<80x128xf32, #tpu.memory_space<vmem>>, vector<1x16xf32>,
      %swap3A_144 = vector.shape_cast %swap3A_143 : vector<1x16xf32> to vector<16xf32>
      %swap3A_145 = vector.shape_cast %broadcast_in_dim3A_140 : vector<16xf32> to vector<1x16xf32>
      tpu.vector_store %arg8[%swap3A_141, %swap3A_142], %swap3A_145 {strides = array<i32>} : memref<80x128xf32, #tpu.memory_space<vmem>>, vector<1x16xf32>,
      %broadcast_in_dim3A_146 = arith.constant 0.000000e+00 : f32
      %broadcast_in_dim3A_147 = vector.broadcast %broadcast_in_dim3A_146 : f32 to vector<16xf32>
      %swap3A_148 = arith.index_cast %scan3A_119 : i32 to index
      %swap3A_149 = arith.constant 64 : index
      %swap3A_150 = tpu.vector_load %arg8[%swap3A_148, %swap3A_149] {strides = array<i32>} : memref<80x128xf32, #tpu.memory_space<vmem>>, vector<1x16xf32>,
      %swap3A_151 = vector.shape_cast %swap3A_150 : vector<1x16xf32> to vector<16xf32>
      %swap3A_152 = vector.shape_cast %broadcast_in_dim3A_147 : vector<16xf32> to vector<1x16xf32>
      tpu.vector_store %arg8[%swap3A_148, %swap3A_149], %swap3A_152 {strides = array<i32>} : memref<80x128xf32, #tpu.memory_space<vmem>>, vector<1x16xf32>,
      %broadcast_in_dim3A_153 = arith.constant 0.000000e+00 : f32
      %broadcast_in_dim3A_154 = vector.broadcast %broadcast_in_dim3A_153 : f32 to vector<16xf32>
      %swap3A_155 = arith.index_cast %scan3A_119 : i32 to index
      %swap3A_156 = arith.constant 80 : index
      %swap3A_157 = tpu.vector_load %arg8[%swap3A_155, %swap3A_156] {strides = array<i32>} : memref<80x128xf32, #tpu.memory_space<vmem>>, vector<1x16xf32>,
      %swap3A_158 = vector.shape_cast %swap3A_157 : vector<1x16xf32> to vector<16xf32>
      %swap3A_159 = vector.shape_cast %broadcast_in_dim3A_154 : vector<16xf32> to vector<1x16xf32>
      tpu.vector_store %arg8[%swap3A_155, %swap3A_156], %swap3A_159 {strides = array<i32>} : memref<80x128xf32, #tpu.memory_space<vmem>>, vector<1x16xf32>,
      %broadcast_in_dim3A_160 = arith.constant 0.000000e+00 : f32
      %broadcast_in_dim3A_161 = vector.broadcast %broadcast_in_dim3A_160 : f32 to vector<16xf32>
      %swap3A_162 = arith.index_cast %scan3A_119 : i32 to index
      %swap3A_163 = arith.constant 96 : index
      %swap3A_164 = tpu.vector_load %arg8[%swap3A_162, %swap3A_163] {strides = array<i32>} : memref<80x128xf32, #tpu.memory_space<vmem>>, vector<1x16xf32>,
      %swap3A_165 = vector.shape_cast %swap3A_164 : vector<1x16xf32> to vector<16xf32>
      %swap3A_166 = vector.shape_cast %broadcast_in_dim3A_161 : vector<16xf32> to vector<1x16xf32>
      tpu.vector_store %arg8[%swap3A_162, %swap3A_163], %swap3A_166 {strides = array<i32>} : memref<80x128xf32, #tpu.memory_space<vmem>>, vector<1x16xf32>,
      %broadcast_in_dim3A_167 = arith.constant 0.000000e+00 : f32
      %broadcast_in_dim3A_168 = vector.broadcast %broadcast_in_dim3A_167 : f32 to vector<16xf32>
      %swap3A_169 = arith.index_cast %scan3A_119 : i32 to index
      %swap3A_170 = arith.constant 112 : index
      %swap3A_171 = tpu.vector_load %arg8[%swap3A_169, %swap3A_170] {strides = array<i32>} : memref<80x128xf32, #tpu.memory_space<vmem>>, vector<1x16xf32>,
      %swap3A_172 = vector.shape_cast %swap3A_171 : vector<1x16xf32> to vector<16xf32>
      %swap3A_173 = vector.shape_cast %broadcast_in_dim3A_168 : vector<16xf32> to vector<1x16xf32>
      tpu.vector_store %arg8[%swap3A_169, %swap3A_170], %swap3A_173 {strides = array<i32>} : memref<80x128xf32, #tpu.memory_space<vmem>>, vector<1x16xf32>,
    }
    %scan3A_5 = arith.constant 80 : i32
    %mul3A_6 = arith.constant 640 : i32
    %mul3A_7 = arith.muli %arg1, %mul3A_6 : i32
    %add3A_8 = arith.constant 0 : i32
    %add3A_9 = arith.addi %mul3A_7, %add3A_8 : i32
    "tpu.region"() ({
      %run_scoped3A_119 = tpu.sem_alloc : memref<!tpu.dma_semaphore, #tpu.memory_space<semaphore_mem>>
      %dma_start3A_120 = arith.constant 0 : i32
      %dma_start3A_121 = tpu.memref_slice %arg10[%add3A_9, %dma_start3A_120] : memref<10240x128xf32, #tpu.memory_space<vmem_shared>> -> memref<80x128xf32, #tpu.memory_space<vmem_shared>>
      %dma_start3A_122 = arith.constant 0 : i32
      %dma_start3A_123 = tpu.memref_slice %arg10[%add3A_9, %dma_start3A_122] : memref<10240x128xf32, #tpu.memory_space<vmem_shared>> -> memref<80x128xf32, #tpu.memory_space<vmem_shared>>
      tpu.enqueue_dma source(%arg8 : memref<80x128xf32, #tpu.memory_space<vmem>>) target(%dma_start3A_123 : memref<80x128xf32, #tpu.memory_space<vmem_shared>>) target_semaphore(%run_scoped3A_119 : memref<!tpu.dma_semaphore, #tpu.memory_space<semaphore_mem>>)
      %dma_wait3A_124 = arith.constant 0 : i32
      %dma_wait3A_125 = tpu.memref_slice %arg10[%add3A_9, %dma_wait3A_124] : memref<10240x128xf32, #tpu.memory_space<vmem_shared>> -> memref<80x128xf32, #tpu.memory_space<vmem_shared>>
      %dma_wait3A_126 = arith.constant 0 : i32
      %dma_wait3A_127 = tpu.memref_slice %arg10[%add3A_9, %dma_wait3A_126] : memref<10240x128xf32, #tpu.memory_space<vmem_shared>> -> memref<80x128xf32, #tpu.memory_space<vmem_shared>>
      tpu.wait_dma2 semaphore(%run_scoped3A_119 : memref<!tpu.dma_semaphore, #tpu.memory_space<semaphore_mem>>) src(%arg8 : memref<80x128xf32, #tpu.memory_space<vmem>>) dst(%dma_wait3A_127 : memref<80x128xf32, #tpu.memory_space<vmem_shared>>)
      tpu.yield
    }) : () -> ()
    %mul3A_10 = arith.constant 640 : i32
    %mul3A_11 = arith.muli %arg1, %mul3A_10 : i32
    %add3A_12 = arith.constant 80 : i32
    %add3A_13 = arith.addi %mul3A_11, %add3A_12 : i32
    "tpu.region"() ({
      %run_scoped3A_119 = tpu.sem_alloc : memref<!tpu.dma_semaphore, #tpu.memory_space<semaphore_mem>>
      %dma_start3A_120 = arith.constant 0 : i32
      %dma_start3A_121 = tpu.memref_slice %arg10[%add3A_13, %dma_start3A_120] : memref<10240x128xf32, #tpu.memory_space<vmem_shared>> -> memref<80x128xf32, #tpu.memory_space<vmem_shared>>
      %dma_start3A_122 = arith.constant 0 : i32
      %dma_start3A_123 = tpu.memref_slice %arg10[%add3A_13, %dma_start3A_122] : memref<10240x128xf32, #tpu.memory_space<vmem_shared>> -> memref<80x128xf32, #tpu.memory_space<vmem_shared>>
      tpu.enqueue_dma source(%arg8 : memref<80x128xf32, #tpu.memory_space<vmem>>) target(%dma_start3A_123 : memref<80x128xf32, #tpu.memory_space<vmem_shared>>) target_semaphore(%run_scoped3A_119 : memref<!tpu.dma_semaphore, #tpu.memory_space<semaphore_mem>>)
      %dma_wait3A_124 = arith.constant 0 : i32
      %dma_wait3A_125 = tpu.memref_slice %arg10[%add3A_13, %dma_wait3A_124] : memref<10240x128xf32, #tpu.memory_space<vmem_shared>> -> memref<80x128xf32, #tpu.memory_space<vmem_shared>>
      %dma_wait3A_126 = arith.constant 0 : i32
      %dma_wait3A_127 = tpu.memref_slice %arg10[%add3A_13, %dma_wait3A_126] : memref<10240x128xf32, #tpu.memory_space<vmem_shared>> -> memref<80x128xf32, #tpu.memory_space<vmem_shared>>
      tpu.wait_dma2 semaphore(%run_scoped3A_119 : memref<!tpu.dma_semaphore, #tpu.memory_space<semaphore_mem>>) src(%arg8 : memref<80x128xf32, #tpu.memory_space<vmem>>) dst(%dma_wait3A_127 : memref<80x128xf32, #tpu.memory_space<vmem_shared>>)
      tpu.yield
    }) : () -> ()
    %mul3A_14 = arith.constant 640 : i32
    %mul3A_15 = arith.muli %arg1, %mul3A_14 : i32
    %add3A_16 = arith.constant 160 : i32
    %add3A_17 = arith.addi %mul3A_15, %add3A_16 : i32
    "tpu.region"() ({
      %run_scoped3A_119 = tpu.sem_alloc : memref<!tpu.dma_semaphore, #tpu.memory_space<semaphore_mem>>
      %dma_start3A_120 = arith.constant 0 : i32
      %dma_start3A_121 = tpu.memref_slice %arg10[%add3A_17, %dma_start3A_120] : memref<10240x128xf32, #tpu.memory_space<vmem_shared>> -> memref<80x128xf32, #tpu.memory_space<vmem_shared>>
      %dma_start3A_122 = arith.constant 0 : i32
      %dma_start3A_123 = tpu.memref_slice %arg10[%add3A_17, %dma_start3A_122] : memref<10240x128xf32, #tpu.memory_space<vmem_shared>> -> memref<80x128xf32, #tpu.memory_space<vmem_shared>>
      tpu.enqueue_dma source(%arg8 : memref<80x128xf32, #tpu.memory_space<vmem>>) target(%dma_start3A_123 : memref<80x128xf32, #tpu.memory_space<vmem_shared>>) target_semaphore(%run_scoped3A_119 : memref<!tpu.dma_semaphore, #tpu.memory_space<semaphore_mem>>)
      %dma_wait3A_124 = arith.constant 0 : i32
      %dma_wait3A_125 = tpu.memref_slice %arg10[%add3A_17, %dma_wait3A_124] : memref<10240x128xf32, #tpu.memory_space<vmem_shared>> -> memref<80x128xf32, #tpu.memory_space<vmem_shared>>
      %dma_wait3A_126 = arith.constant 0 : i32
      %dma_wait3A_127 = tpu.memref_slice %arg10[%add3A_17, %dma_wait3A_126] : memref<10240x128xf32, #tpu.memory_space<vmem_shared>> -> memref<80x128xf32, #tpu.memory_space<vmem_shared>>
      tpu.wait_dma2 semaphore(%run_scoped3A_119 : memref<!tpu.dma_semaphore, #tpu.memory_space<semaphore_mem>>) src(%arg8 : memref<80x128xf32, #tpu.memory_space<vmem>>) dst(%dma_wait3A_127 : memref<80x128xf32, #tpu.memory_space<vmem_shared>>)
      tpu.yield
    }) : () -> ()
    %mul3A_18 = arith.constant 640 : i32
    %mul3A_19 = arith.muli %arg1, %mul3A_18 : i32
    %add3A_20 = arith.constant 240 : i32
    %add3A_21 = arith.addi %mul3A_19, %add3A_20 : i32
    "tpu.region"() ({
      %run_scoped3A_119 = tpu.sem_alloc : memref<!tpu.dma_semaphore, #tpu.memory_space<semaphore_mem>>
      %dma_start3A_120 = arith.constant 0 : i32
      %dma_start3A_121 = tpu.memref_slice %arg10[%add3A_21, %dma_start3A_120] : memref<10240x128xf32, #tpu.memory_space<vmem_shared>> -> memref<80x128xf32, #tpu.memory_space<vmem_shared>>
      %dma_start3A_122 = arith.constant 0 : i32
      %dma_start3A_123 = tpu.memref_slice %arg10[%add3A_21, %dma_start3A_122] : memref<10240x128xf32, #tpu.memory_space<vmem_shared>> -> memref<80x128xf32, #tpu.memory_space<vmem_shared>>
      tpu.enqueue_dma source(%arg8 : memref<80x128xf32, #tpu.memory_space<vmem>>) target(%dma_start3A_123 : memref<80x128xf32, #tpu.memory_space<vmem_shared>>) target_semaphore(%run_scoped3A_119 : memref<!tpu.dma_semaphore, #tpu.memory_space<semaphore_mem>>)
      %dma_wait3A_124 = arith.constant 0 : i32
      %dma_wait3A_125 = tpu.memref_slice %arg10[%add3A_21, %dma_wait3A_124] : memref<10240x128xf32, #tpu.memory_space<vmem_shared>> -> memref<80x128xf32, #tpu.memory_space<vmem_shared>>
      %dma_wait3A_126 = arith.constant 0 : i32
      %dma_wait3A_127 = tpu.memref_slice %arg10[%add3A_21, %dma_wait3A_126] : memref<10240x128xf32, #tpu.memory_space<vmem_shared>> -> memref<80x128xf32, #tpu.memory_space<vmem_shared>>
      tpu.wait_dma2 semaphore(%run_scoped3A_119 : memref<!tpu.dma_semaphore, #tpu.memory_space<semaphore_mem>>) src(%arg8 : memref<80x128xf32, #tpu.memory_space<vmem>>) dst(%dma_wait3A_127 : memref<80x128xf32, #tpu.memory_space<vmem_shared>>)
      tpu.yield
    }) : () -> ()
    %mul3A_22 = arith.constant 640 : i32
    %mul3A_23 = arith.muli %arg1, %mul3A_22 : i32
    %add3A_24 = arith.constant 320 : i32
    %add3A_25 = arith.addi %mul3A_23, %add3A_24 : i32
    "tpu.region"() ({
      %run_scoped3A_119 = tpu.sem_alloc : memref<!tpu.dma_semaphore, #tpu.memory_space<semaphore_mem>>
      %dma_start3A_120 = arith.constant 0 : i32
      %dma_start3A_121 = tpu.memref_slice %arg10[%add3A_25, %dma_start3A_120] : memref<10240x128xf32, #tpu.memory_space<vmem_shared>> -> memref<80x128xf32, #tpu.memory_space<vmem_shared>>
      %dma_start3A_122 = arith.constant 0 : i32
      %dma_start3A_123 = tpu.memref_slice %arg10[%add3A_25, %dma_start3A_122] : memref<10240x128xf32, #tpu.memory_space<vmem_shared>> -> memref<80x128xf32, #tpu.memory_space<vmem_shared>>
      tpu.enqueue_dma source(%arg8 : memref<80x128xf32, #tpu.memory_space<vmem>>) target(%dma_start3A_123 : memref<80x128xf32, #tpu.memory_space<vmem_shared>>) target_semaphore(%run_scoped3A_119 : memref<!tpu.dma_semaphore, #tpu.memory_space<semaphore_mem>>)
      %dma_wait3A_124 = arith.constant 0 : i32
      %dma_wait3A_125 = tpu.memref_slice %arg10[%add3A_25, %dma_wait3A_124] : memref<10240x128xf32, #tpu.memory_space<vmem_shared>> -> memref<80x128xf32, #tpu.memory_space<vmem_shared>>
      %dma_wait3A_126 = arith.constant 0 : i32
      %dma_wait3A_127 = tpu.memref_slice %arg10[%add3A_25, %dma_wait3A_126] : memref<10240x128xf32, #tpu.memory_space<vmem_shared>> -> memref<80x128xf32, #tpu.memory_space<vmem_shared>>
      tpu.wait_dma2 semaphore(%run_scoped3A_119 : memref<!tpu.dma_semaphore, #tpu.memory_space<semaphore_mem>>) src(%arg8 : memref<80x128xf32, #tpu.memory_space<vmem>>) dst(%dma_wait3A_127 : memref<80x128xf32, #tpu.memory_space<vmem_shared>>)
      tpu.yield
    }) : () -> ()
    %mul3A_26 = arith.constant 640 : i32
    %mul3A_27 = arith.muli %arg1, %mul3A_26 : i32
    %add3A_28 = arith.constant 400 : i32
    %add3A_29 = arith.addi %mul3A_27, %add3A_28 : i32
    "tpu.region"() ({
      %run_scoped3A_119 = tpu.sem_alloc : memref<!tpu.dma_semaphore, #tpu.memory_space<semaphore_mem>>
      %dma_start3A_120 = arith.constant 0 : i32
      %dma_start3A_121 = tpu.memref_slice %arg10[%add3A_29, %dma_start3A_120] : memref<10240x128xf32, #tpu.memory_space<vmem_shared>> -> memref<80x128xf32, #tpu.memory_space<vmem_shared>>
      %dma_start3A_122 = arith.constant 0 : i32
      %dma_start3A_123 = tpu.memref_slice %arg10[%add3A_29, %dma_start3A_122] : memref<10240x128xf32, #tpu.memory_space<vmem_shared>> -> memref<80x128xf32, #tpu.memory_space<vmem_shared>>
      tpu.enqueue_dma source(%arg8 : memref<80x128xf32, #tpu.memory_space<vmem>>) target(%dma_start3A_123 : memref<80x128xf32, #tpu.memory_space<vmem_shared>>) target_semaphore(%run_scoped3A_119 : memref<!tpu.dma_semaphore, #tpu.memory_space<semaphore_mem>>)
      %dma_wait3A_124 = arith.constant 0 : i32
      %dma_wait3A_125 = tpu.memref_slice %arg10[%add3A_29, %dma_wait3A_124] : memref<10240x128xf32, #tpu.memory_space<vmem_shared>> -> memref<80x128xf32, #tpu.memory_space<vmem_shared>>
      %dma_wait3A_126 = arith.constant 0 : i32
      %dma_wait3A_127 = tpu.memref_slice %arg10[%add3A_29, %dma_wait3A_126] : memref<10240x128xf32, #tpu.memory_space<vmem_shared>> -> memref<80x128xf32, #tpu.memory_space<vmem_shared>>
      tpu.wait_dma2 semaphore(%run_scoped3A_119 : memref<!tpu.dma_semaphore, #tpu.memory_space<semaphore_mem>>) src(%arg8 : memref<80x128xf32, #tpu.memory_space<vmem>>) dst(%dma_wait3A_127 : memref<80x128xf32, #tpu.memory_space<vmem_shared>>)
      tpu.yield
    }) : () -> ()
    %mul3A_30 = arith.constant 640 : i32
    %mul3A_31 = arith.muli %arg1, %mul3A_30 : i32
    %add3A_32 = arith.constant 480 : i32
    %add3A_33 = arith.addi %mul3A_31, %add3A_32 : i32
    "tpu.region"() ({
      %run_scoped3A_119 = tpu.sem_alloc : memref<!tpu.dma_semaphore, #tpu.memory_space<semaphore_mem>>
      %dma_start3A_120 = arith.constant 0 : i32
      %dma_start3A_121 = tpu.memref_slice %arg10[%add3A_33, %dma_start3A_120] : memref<10240x128xf32, #tpu.memory_space<vmem_shared>> -> memref<80x128xf32, #tpu.memory_space<vmem_shared>>
      %dma_start3A_122 = arith.constant 0 : i32
      %dma_start3A_123 = tpu.memref_slice %arg10[%add3A_33, %dma_start3A_122] : memref<10240x128xf32, #tpu.memory_space<vmem_shared>> -> memref<80x128xf32, #tpu.memory_space<vmem_shared>>
      tpu.enqueue_dma source(%arg8 : memref<80x128xf32, #tpu.memory_space<vmem>>) target(%dma_start3A_123 : memref<80x128xf32, #tpu.memory_space<vmem_shared>>) target_semaphore(%run_scoped3A_119 : memref<!tpu.dma_semaphore, #tpu.memory_space<semaphore_mem>>)
      %dma_wait3A_124 = arith.constant 0 : i32
      %dma_wait3A_125 = tpu.memref_slice %arg10[%add3A_33, %dma_wait3A_124] : memref<10240x128xf32, #tpu.memory_space<vmem_shared>> -> memref<80x128xf32, #tpu.memory_space<vmem_shared>>
      %dma_wait3A_126 = arith.constant 0 : i32
      %dma_wait3A_127 = tpu.memref_slice %arg10[%add3A_33, %dma_wait3A_126] : memref<10240x128xf32, #tpu.memory_space<vmem_shared>> -> memref<80x128xf32, #tpu.memory_space<vmem_shared>>
      tpu.wait_dma2 semaphore(%run_scoped3A_119 : memref<!tpu.dma_semaphore, #tpu.memory_space<semaphore_mem>>) src(%arg8 : memref<80x128xf32, #tpu.memory_space<vmem>>) dst(%dma_wait3A_127 : memref<80x128xf32, #tpu.memory_space<vmem_shared>>)
      tpu.yield
    }) : () -> ()
    %mul3A_34 = arith.constant 640 : i32
    %mul3A_35 = arith.muli %arg1, %mul3A_34 : i32
    %add3A_36 = arith.constant 560 : i32
    %add3A_37 = arith.addi %mul3A_35, %add3A_36 : i32
    "tpu.region"() ({
      %run_scoped3A_119 = tpu.sem_alloc : memref<!tpu.dma_semaphore, #tpu.memory_space<semaphore_mem>>
      %dma_start3A_120 = arith.constant 0 : i32
      %dma_start3A_121 = tpu.memref_slice %arg10[%add3A_37, %dma_start3A_120] : memref<10240x128xf32, #tpu.memory_space<vmem_shared>> -> memref<80x128xf32, #tpu.memory_space<vmem_shared>>
      %dma_start3A_122 = arith.constant 0 : i32
      %dma_start3A_123 = tpu.memref_slice %arg10[%add3A_37, %dma_start3A_122] : memref<10240x128xf32, #tpu.memory_space<vmem_shared>> -> memref<80x128xf32, #tpu.memory_space<vmem_shared>>
      tpu.enqueue_dma source(%arg8 : memref<80x128xf32, #tpu.memory_space<vmem>>) target(%dma_start3A_123 : memref<80x128xf32, #tpu.memory_space<vmem_shared>>) target_semaphore(%run_scoped3A_119 : memref<!tpu.dma_semaphore, #tpu.memory_space<semaphore_mem>>)
      %dma_wait3A_124 = arith.constant 0 : i32
      %dma_wait3A_125 = tpu.memref_slice %arg10[%add3A_37, %dma_wait3A_124] : memref<10240x128xf32, #tpu.memory_space<vmem_shared>> -> memref<80x128xf32, #tpu.memory_space<vmem_shared>>
      %dma_wait3A_126 = arith.constant 0 : i32
      %dma_wait3A_127 = tpu.memref_slice %arg10[%add3A_37, %dma_wait3A_126] : memref<10240x128xf32, #tpu.memory_space<vmem_shared>> -> memref<80x128xf32, #tpu.memory_space<vmem_shared>>
      tpu.wait_dma2 semaphore(%run_scoped3A_119 : memref<!tpu.dma_semaphore, #tpu.memory_space<semaphore_mem>>) src(%arg8 : memref<80x128xf32, #tpu.memory_space<vmem>>) dst(%dma_wait3A_127 : memref<80x128xf32, #tpu.memory_space<vmem_shared>>)
      tpu.yield
    }) : () -> ()
    %barrier3A = arith.constant 0 : index
    tpu.barrier barrier_id(%barrier3A)
    %run_scoped3A = arith.constant 0 : i32
    "tpu.region"() ({
      %run_scoped3A_119 = tpu.sem_alloc : memref<!tpu.dma_semaphore, #tpu.memory_space<semaphore_mem>>
      %dma_start3A_120 = arith.constant 0 : i32
      %dma_start3A_121 = tpu.memref_slice %arg3[%run_scoped3A, %add3A, %dma_start3A_120] : memref<2x32x10000xi32, #tpu.memory_space<hbm>> -> memref<1x1x10000xi32, #tpu.memory_space<hbm>>
      %dma_start3A_122 = tpu.memref_squeeze %dma_start3A_121 : memref<1x1x10000xi32, #tpu.memory_space<hbm>> -> memref<10000xi32, #tpu.memory_space<hbm>>
      %dma_start3A_123 = arith.constant 0 : i32
      %dma_start3A_124 = tpu.memref_slice %arg3[%run_scoped3A, %add3A, %dma_start3A_123] : memref<2x32x10000xi32, #tpu.memory_space<hbm>> -> memref<1x1x10000xi32, #tpu.memory_space<hbm>>
      %dma_start3A_125 = tpu.memref_squeeze %dma_start3A_124 : memref<1x1x10000xi32, #tpu.memory_space<hbm>> -> memref<10000xi32, #tpu.memory_space<hbm>>
      tpu.enqueue_dma source(%dma_start3A_125 : memref<10000xi32, #tpu.memory_space<hbm>>) target(%arg6 : memref<10000xi32, #tpu.memory_space<vmem>>) target_semaphore(%run_scoped3A_119 : memref<!tpu.dma_semaphore, #tpu.memory_space<semaphore_mem>>)
      %dma_wait3A_126 = arith.constant 0 : i32
      %dma_wait3A_127 = tpu.memref_slice %arg3[%run_scoped3A, %add3A, %dma_wait3A_126] : memref<2x32x10000xi32, #tpu.memory_space<hbm>> -> memref<1x1x10000xi32, #tpu.memory_space<hbm>>
      %dma_wait3A_128 = tpu.memref_squeeze %dma_wait3A_127 : memref<1x1x10000xi32, #tpu.memory_space<hbm>> -> memref<10000xi32, #tpu.memory_space<hbm>>
      %dma_wait3A_129 = arith.constant 0 : i32
      %dma_wait3A_130 = tpu.memref_slice %arg3[%run_scoped3A, %add3A, %dma_wait3A_129] : memref<2x32x10000xi32, #tpu.memory_space<hbm>> -> memref<1x1x10000xi32, #tpu.memory_space<hbm>>
      %dma_wait3A_131 = tpu.memref_squeeze %dma_wait3A_130 : memref<1x1x10000xi32, #tpu.memory_space<hbm>> -> memref<10000xi32, #tpu.memory_space<hbm>>
      tpu.wait_dma2 semaphore(%run_scoped3A_119 : memref<!tpu.dma_semaphore, #tpu.memory_space<semaphore_mem>>) src(%dma_wait3A_131 : memref<10000xi32, #tpu.memory_space<hbm>>) dst(%arg6 : memref<10000xi32, #tpu.memory_space<vmem>>)
      tpu.yield
    }) : () -> ()
    %run_scoped3A_38 = arith.constant 1 : i32
    "tpu.region"() ({
      %run_scoped3A_119 = tpu.sem_alloc : memref<!tpu.dma_semaphore, #tpu.memory_space<semaphore_mem>>
      %dma_start3A_120 = arith.constant 0 : i32
      %dma_start3A_121 = arith.constant 0 : i32
      %dma_start3A_122 = tpu.memref_slice %arg4[%run_scoped3A_38, %add3A, %dma_start3A_120, %dma_start3A_121] : memref<2x32x125x80xi32, #tpu.memory_space<hbm>> -> memref<1x1x125x80xi32, #tpu.memory_space<hbm>>
      %dma_start3A_123 = tpu.memref_squeeze %dma_start3A_122 : memref<1x1x125x80xi32, #tpu.memory_space<hbm>> -> memref<125x80xi32, #tpu.memory_space<hbm>>
      %dma_start3A_124 = arith.constant 0 : i32
      %dma_start3A_125 = arith.constant 0 : i32
      %dma_start3A_126 = tpu.memref_slice %arg4[%run_scoped3A_38, %add3A, %dma_start3A_124, %dma_start3A_125] : memref<2x32x125x80xi32, #tpu.memory_space<hbm>> -> memref<1x1x125x80xi32, #tpu.memory_space<hbm>>
      %dma_start3A_127 = tpu.memref_squeeze %dma_start3A_126 : memref<1x1x125x80xi32, #tpu.memory_space<hbm>> -> memref<125x80xi32, #tpu.memory_space<hbm>>
      tpu.enqueue_dma source(%dma_start3A_127 : memref<125x80xi32, #tpu.memory_space<hbm>>) target(%arg7 : memref<125x80xi32, #tpu.memory_space<vmem>>) target_semaphore(%run_scoped3A_119 : memref<!tpu.dma_semaphore, #tpu.memory_space<semaphore_mem>>)
      %dma_wait3A_128 = arith.constant 0 : i32
      %dma_wait3A_129 = arith.constant 0 : i32
      %dma_wait3A_130 = tpu.memref_slice %arg4[%run_scoped3A_38, %add3A, %dma_wait3A_128, %dma_wait3A_129] : memref<2x32x125x80xi32, #tpu.memory_space<hbm>> -> memref<1x1x125x80xi32, #tpu.memory_space<hbm>>
      %dma_wait3A_131 = tpu.memref_squeeze %dma_wait3A_130 : memref<1x1x125x80xi32, #tpu.memory_space<hbm>> -> memref<125x80xi32, #tpu.memory_space<hbm>>
      %dma_wait3A_132 = arith.constant 0 : i32
      %dma_wait3A_133 = arith.constant 0 : i32
      %dma_wait3A_134 = tpu.memref_slice %arg4[%run_scoped3A_38, %add3A, %dma_wait3A_132, %dma_wait3A_133] : memref<2x32x125x80xi32, #tpu.memory_space<hbm>> -> memref<1x1x125x80xi32, #tpu.memory_space<hbm>>
      %dma_wait3A_135 = tpu.memref_squeeze %dma_wait3A_134 : memref<1x1x125x80xi32, #tpu.memory_space<hbm>> -> memref<125x80xi32, #tpu.memory_space<hbm>>
      tpu.wait_dma2 semaphore(%run_scoped3A_119 : memref<!tpu.dma_semaphore, #tpu.memory_space<semaphore_mem>>) src(%dma_wait3A_135 : memref<125x80xi32, #tpu.memory_space<hbm>>) dst(%arg7 : memref<125x80xi32, #tpu.memory_space<vmem>>)
      tpu.yield
    }) : () -> ()
    %dma_start3A = arith.constant 0 : i32
    %dma_start3A_39 = tpu.memref_slice %arg6[%dma_start3A] : memref<10000xi32, #tpu.memory_space<vmem>> -> memref<80xi32, #tpu.memory_space<vmem>>
    %dma_start3A_40 = arith.constant 0 : i32
    %dma_start3A_41 = arith.constant 0 : i32
    %dma_start3A_42 = tpu.memref_slice %arg2[%dma_start3A_40, %dma_start3A_41] : memref<10000x128xf32, #tpu.memory_space<hbm>> -> memref<10000x128xf32, #tpu.memory_space<hbm>>
    tpu.enqueue_indirect_dma source(%dma_start3A_42 : memref<10000x128xf32, #tpu.memory_space<hbm>>) target(%arg8 : memref<80x128xf32, #tpu.memory_space<vmem>>) offsets(%dma_start3A_39 : memref<80xi32, #tpu.memory_space<vmem>>) semaphore(%arg11 : memref<!tpu.dma_semaphore, #tpu.memory_space<semaphore_mem>>)
    %scan3A_43 = arith.constant 0 : i32
    %scan3A_44 = arith.constant 0 : i32
    %scan3A_45 = arith.constant 62 : i32
    %scan3A_46 = arith.addi %scan3A_44, %scan3A_45 : i32
    %scan3A_47 = arith.constant 1 : i32
    scf.for %scan3A_119 = %scan3A_44 to %scan3A_46 step %scan3A_47  : i32 {
      %mul3A_120 = arith.constant 2 : i32
      %mul3A_121 = arith.muli %mul3A_120, %scan3A_119 : i32
      %add3A_122 = arith.constant 1 : i32
      %add3A_123 = arith.addi %mul3A_121, %add3A_122 : i32
      %mul3A_124 = arith.constant 80 : i32
      %mul3A_125 = arith.muli %add3A_123, %mul3A_124 : i32
      %dma_start3A_126 = tpu.memref_slice %arg6[%mul3A_125] : memref<10000xi32, #tpu.memory_space<vmem>> -> memref<80xi32, #tpu.memory_space<vmem>>
      %dma_start3A_127 = arith.constant 0 : i32
      %dma_start3A_128 = arith.constant 0 : i32
      %dma_start3A_129 = tpu.memref_slice %arg2[%dma_start3A_127, %dma_start3A_128] : memref<10000x128xf32, #tpu.memory_space<hbm>> -> memref<10000x128xf32, #tpu.memory_space<hbm>>
      tpu.enqueue_indirect_dma source(%dma_start3A_129 : memref<10000x128xf32, #tpu.memory_space<hbm>>) target(%arg9 : memref<80x128xf32, #tpu.memory_space<vmem>>) offsets(%dma_start3A_126 : memref<80xi32, #tpu.memory_space<vmem>>) semaphore(%arg12 : memref<!tpu.dma_semaphore, #tpu.memory_space<semaphore_mem>>)
      %mul3A_130 = arith.constant 80 : i32
      %mul3A_131 = arith.muli %mul3A_121, %mul3A_130 : i32
      %dma_wait3A_132 = tpu.memref_slice %arg6[%mul3A_131] : memref<10000xi32, #tpu.memory_space<vmem>> -> memref<80xi32, #tpu.memory_space<vmem>>
      %dma_wait3A_133 = arith.constant 0 : i32
      %dma_wait3A_134 = arith.constant 0 : i32
      %dma_wait3A_135 = tpu.memref_slice %arg2[%dma_wait3A_133, %dma_wait3A_134] : memref<10000x128xf32, #tpu.memory_space<hbm>> -> memref<10000x128xf32, #tpu.memory_space<hbm>>
      tpu.wait_indirect_dma semaphore(%arg11 : memref<!tpu.dma_semaphore, #tpu.memory_space<semaphore_mem>>) src(%dma_wait3A_135 : memref<10000x128xf32, #tpu.memory_space<hbm>>) dst(%arg8 : memref<80x128xf32, #tpu.memory_space<vmem>>)
      "tpu.region"() ({
        %run_scoped3A_154 = tpu.sem_alloc : memref<!tpu.dma_semaphore, #tpu.memory_space<semaphore_mem>>
        %dma_start3A_155 = arith.constant 0 : i32
        %dma_start3A_156 = tpu.memref_slice %arg7[%mul3A_121, %dma_start3A_155] : memref<125x80xi32, #tpu.memory_space<vmem>> -> memref<1x80xi32, #tpu.memory_space<vmem>>
        %dma_start3A_157 = tpu.memref_squeeze %dma_start3A_156 : memref<1x80xi32, #tpu.memory_space<vmem>> -> memref<80xi32, #tpu.memory_space<vmem>>
        %dma_start3A_158 = arith.constant 0 : i32
        %dma_start3A_159 = arith.constant 0 : i32
        %dma_start3A_160 = tpu.memref_slice %arg10[%dma_start3A_158, %dma_start3A_159] : memref<10240x128xf32, #tpu.memory_space<vmem_shared>> -> memref<10240x128xf32, #tpu.memory_space<vmem_shared>>
        tpu.enqueue_indirect_dma source(%arg8 : memref<80x128xf32, #tpu.memory_space<vmem>>) target(%dma_start3A_160 : memref<10240x128xf32, #tpu.memory_space<vmem_shared>>) offsets(%dma_start3A_157 : memref<80xi32, #tpu.memory_space<vmem>>) semaphore(%run_scoped3A_154 : memref<!tpu.dma_semaphore, #tpu.memory_space<semaphore_mem>>) {add = true}
        %dma_wait3A_161 = arith.constant 0 : i32
        %dma_wait3A_162 = tpu.memref_slice %arg7[%mul3A_121, %dma_wait3A_161] : memref<125x80xi32, #tpu.memory_space<vmem>> -> memref<1x80xi32, #tpu.memory_space<vmem>>
        %dma_wait3A_163 = tpu.memref_squeeze %dma_wait3A_162 : memref<1x80xi32, #tpu.memory_space<vmem>> -> memref<80xi32, #tpu.memory_space<vmem>>
        %dma_wait3A_164 = arith.constant 0 : i32
        %dma_wait3A_165 = arith.constant 0 : i32
        %dma_wait3A_166 = tpu.memref_slice %arg10[%dma_wait3A_164, %dma_wait3A_165] : memref<10240x128xf32, #tpu.memory_space<vmem_shared>> -> memref<10240x128xf32, #tpu.memory_space<vmem_shared>>
        tpu.wait_indirect_dma semaphore(%run_scoped3A_154 : memref<!tpu.dma_semaphore, #tpu.memory_space<semaphore_mem>>) src(%arg8 : memref<80x128xf32, #tpu.memory_space<vmem>>) dst(%dma_wait3A_166 : memref<10240x128xf32, #tpu.memory_space<vmem_shared>>)
        tpu.yield
      }) : () -> ()
      %add3A_136 = arith.constant 2 : i32
      %add3A_137 = arith.addi %mul3A_121, %add3A_136 : i32
      %mul3A_138 = arith.constant 80 : i32
      %mul3A_139 = arith.muli %add3A_137, %mul3A_138 : i32
      %dma_start3A_140 = tpu.memref_slice %arg6[%mul3A_139] : memref<10000xi32, #tpu.memory_space<vmem>> -> memref<80xi32, #tpu.memory_space<vmem>>
      %dma_start3A_141 = arith.constant 0 : i32
      %dma_start3A_142 = arith.constant 0 : i32
      %dma_start3A_143 = tpu.memref_slice %arg2[%dma_start3A_141, %dma_start3A_142] : memref<10000x128xf32, #tpu.memory_space<hbm>> -> memref<10000x128xf32, #tpu.memory_space<hbm>>
      tpu.enqueue_indirect_dma source(%dma_start3A_143 : memref<10000x128xf32, #tpu.memory_space<hbm>>) target(%arg8 : memref<80x128xf32, #tpu.memory_space<vmem>>) offsets(%dma_start3A_140 : memref<80xi32, #tpu.memory_space<vmem>>) semaphore(%arg11 : memref<!tpu.dma_semaphore, #tpu.memory_space<semaphore_mem>>)
      %add3A_144 = arith.constant 1 : i32
      %add3A_145 = arith.addi %mul3A_121, %add3A_144 : i32
      %mul3A_146 = arith.constant 80 : i32
      %mul3A_147 = arith.muli %add3A_145, %mul3A_146 : i32
      %dma_wait3A_148 = tpu.memref_slice %arg6[%mul3A_147] : memref<10000xi32, #tpu.memory_space<vmem>> -> memref<80xi32, #tpu.memory_space<vmem>>
      %dma_wait3A_149 = arith.constant 0 : i32
      %dma_wait3A_150 = arith.constant 0 : i32
      %dma_wait3A_151 = tpu.memref_slice %arg2[%dma_wait3A_149, %dma_wait3A_150] : memref<10000x128xf32, #tpu.memory_space<hbm>> -> memref<10000x128xf32, #tpu.memory_space<hbm>>
      tpu.wait_indirect_dma semaphore(%arg12 : memref<!tpu.dma_semaphore, #tpu.memory_space<semaphore_mem>>) src(%dma_wait3A_151 : memref<10000x128xf32, #tpu.memory_space<hbm>>) dst(%arg9 : memref<80x128xf32, #tpu.memory_space<vmem>>)
      %add3A_152 = arith.constant 1 : i32
      %add3A_153 = arith.addi %mul3A_121, %add3A_152 : i32
      "tpu.region"() ({
        %run_scoped3A_154 = tpu.sem_alloc : memref<!tpu.dma_semaphore, #tpu.memory_space<semaphore_mem>>
        %dma_start3A_155 = arith.constant 0 : i32
        %dma_start3A_156 = tpu.memref_slice %arg7[%add3A_153, %dma_start3A_155] : memref<125x80xi32, #tpu.memory_space<vmem>> -> memref<1x80xi32, #tpu.memory_space<vmem>>
        %dma_start3A_157 = tpu.memref_squeeze %dma_start3A_156 : memref<1x80xi32, #tpu.memory_space<vmem>> -> memref<80xi32, #tpu.memory_space<vmem>>
        %dma_start3A_158 = arith.constant 0 : i32
        %dma_start3A_159 = arith.constant 0 : i32
        %dma_start3A_160 = tpu.memref_slice %arg10[%dma_start3A_158, %dma_start3A_159] : memref<10240x128xf32, #tpu.memory_space<vmem_shared>> -> memref<10240x128xf32, #tpu.memory_space<vmem_shared>>
        tpu.enqueue_indirect_dma source(%arg9 : memref<80x128xf32, #tpu.memory_space<vmem>>) target(%dma_start3A_160 : memref<10240x128xf32, #tpu.memory_space<vmem_shared>>) offsets(%dma_start3A_157 : memref<80xi32, #tpu.memory_space<vmem>>) semaphore(%run_scoped3A_154 : memref<!tpu.dma_semaphore, #tpu.memory_space<semaphore_mem>>) {add = true}
        %dma_wait3A_161 = arith.constant 0 : i32
        %dma_wait3A_162 = tpu.memref_slice %arg7[%add3A_153, %dma_wait3A_161] : memref<125x80xi32, #tpu.memory_space<vmem>> -> memref<1x80xi32, #tpu.memory_space<vmem>>
        %dma_wait3A_163 = tpu.memref_squeeze %dma_wait3A_162 : memref<1x80xi32, #tpu.memory_space<vmem>> -> memref<80xi32, #tpu.memory_space<vmem>>
        %dma_wait3A_164 = arith.constant 0 : i32
        %dma_wait3A_165 = arith.constant 0 : i32
        %dma_wait3A_166 = tpu.memref_slice %arg10[%dma_wait3A_164, %dma_wait3A_165] : memref<10240x128xf32, #tpu.memory_space<vmem_shared>> -> memref<10240x128xf32, #tpu.memory_space<vmem_shared>>
        tpu.wait_indirect_dma semaphore(%run_scoped3A_154 : memref<!tpu.dma_semaphore, #tpu.memory_space<semaphore_mem>>) src(%arg9 : memref<80x128xf32, #tpu.memory_space<vmem>>) dst(%dma_wait3A_166 : memref<10240x128xf32, #tpu.memory_space<vmem_shared>>)
        tpu.yield
      }) : () -> ()
    }
    %scan3A_48 = arith.constant 62 : i32
    %dma_wait3A = arith.constant 9920 : i32
    %dma_wait3A_49 = tpu.memref_slice %arg6[%dma_wait3A] : memref<10000xi32, #tpu.memory_space<vmem>> -> memref<80xi32, #tpu.memory_space<vmem>>
    %dma_wait3A_50 = arith.constant 0 : i32
    %dma_wait3A_51 = arith.constant 0 : i32
    %dma_wait3A_52 = tpu.memref_slice %arg2[%dma_wait3A_50, %dma_wait3A_51] : memref<10000x128xf32, #tpu.memory_space<hbm>> -> memref<10000x128xf32, #tpu.memory_space<hbm>>
    tpu.wait_indirect_dma semaphore(%arg11 : memref<!tpu.dma_semaphore, #tpu.memory_space<semaphore_mem>>) src(%dma_wait3A_52 : memref<10000x128xf32, #tpu.memory_space<hbm>>) dst(%arg8 : memref<80x128xf32, #tpu.memory_space<vmem>>)
    %run_scoped3A_53 = arith.constant 124 : i32
    "tpu.region"() ({
      %run_scoped3A_119 = tpu.sem_alloc : memref<!tpu.dma_semaphore, #tpu.memory_space<semaphore_mem>>
      %dma_start3A_120 = arith.constant 0 : i32
      %dma_start3A_121 = tpu.memref_slice %arg7[%run_scoped3A_53, %dma_start3A_120] : memref<125x80xi32, #tpu.memory_space<vmem>> -> memref<1x80xi32, #tpu.memory_space<vmem>>
      %dma_start3A_122 = tpu.memref_squeeze %dma_start3A_121 : memref<1x80xi32, #tpu.memory_space<vmem>> -> memref<80xi32, #tpu.memory_space<vmem>>
      %dma_start3A_123 = arith.constant 0 : i32
      %dma_start3A_124 = arith.constant 0 : i32
      %dma_start3A_125 = tpu.memref_slice %arg10[%dma_start3A_123, %dma_start3A_124] : memref<10240x128xf32, #tpu.memory_space<vmem_shared>> -> memref<10240x128xf32, #tpu.memory_space<vmem_shared>>
      tpu.enqueue_indirect_dma source(%arg8 : memref<80x128xf32, #tpu.memory_space<vmem>>) target(%dma_start3A_125 : memref<10240x128xf32, #tpu.memory_space<vmem_shared>>) offsets(%dma_start3A_122 : memref<80xi32, #tpu.memory_space<vmem>>) semaphore(%run_scoped3A_119 : memref<!tpu.dma_semaphore, #tpu.memory_space<semaphore_mem>>) {add = true}
      %dma_wait3A_126 = arith.constant 0 : i32
      %dma_wait3A_127 = tpu.memref_slice %arg7[%run_scoped3A_53, %dma_wait3A_126] : memref<125x80xi32, #tpu.memory_space<vmem>> -> memref<1x80xi32, #tpu.memory_space<vmem>>
      %dma_wait3A_128 = tpu.memref_squeeze %dma_wait3A_127 : memref<1x80xi32, #tpu.memory_space<vmem>> -> memref<80xi32, #tpu.memory_space<vmem>>
      %dma_wait3A_129 = arith.constant 0 : i32
      %dma_wait3A_130 = arith.constant 0 : i32
      %dma_wait3A_131 = tpu.memref_slice %arg10[%dma_wait3A_129, %dma_wait3A_130] : memref<10240x128xf32, #tpu.memory_space<vmem_shared>> -> memref<10240x128xf32, #tpu.memory_space<vmem_shared>>
      tpu.wait_indirect_dma semaphore(%run_scoped3A_119 : memref<!tpu.dma_semaphore, #tpu.memory_space<semaphore_mem>>) src(%arg8 : memref<80x128xf32, #tpu.memory_space<vmem>>) dst(%dma_wait3A_131 : memref<10240x128xf32, #tpu.memory_space<vmem_shared>>)
      tpu.yield
    }) : () -> ()
    %barrier3A_54 = arith.constant 0 : index
    tpu.barrier barrier_id(%barrier3A_54)
    %mul3A_55 = arith.constant 640 : i32
    %mul3A_56 = arith.muli %arg1, %mul3A_55 : i32
    %add3A_57 = arith.constant 0 : i32
    %add3A_58 = arith.addi %mul3A_56, %add3A_57 : i32
    %mul3A_59 = arith.constant 640 : i32
    %mul3A_60 = arith.muli %arg1, %mul3A_59 : i32
    %add3A_61 = arith.constant 0 : i32
    %add3A_62 = arith.addi %mul3A_60, %add3A_61 : i32
    "tpu.region"() ({
      %run_scoped3A_119 = tpu.sem_alloc : memref<!tpu.dma_semaphore, #tpu.memory_space<semaphore_mem>>
      %dma_start3A_120 = arith.constant 0 : i32
      %dma_start3A_121 = tpu.memref_slice %arg5[%arg0, %add3A_62, %dma_start3A_120] : memref<2x10240x128xf32, #tpu.memory_space<hbm>> -> memref<1x80x128xf32, #tpu.memory_space<hbm>>
      %dma_start3A_122 = tpu.memref_squeeze %dma_start3A_121 : memref<1x80x128xf32, #tpu.memory_space<hbm>> -> memref<80x128xf32, #tpu.memory_space<hbm>>
      %dma_start3A_123 = arith.constant 0 : i32
      %dma_start3A_124 = tpu.memref_slice %arg10[%add3A_58, %dma_start3A_123] : memref<10240x128xf32, #tpu.memory_space<vmem_shared>> -> memref<80x128xf32, #tpu.memory_space<vmem_shared>>
      tpu.enqueue_dma source(%dma_start3A_124 : memref<80x128xf32, #tpu.memory_space<vmem_shared>>) target(%dma_start3A_122 : memref<80x128xf32, #tpu.memory_space<hbm>>) target_semaphore(%run_scoped3A_119 : memref<!tpu.dma_semaphore, #tpu.memory_space<semaphore_mem>>)
      %dma_wait3A_125 = arith.constant 0 : i32
      %dma_wait3A_126 = tpu.memref_slice %arg5[%arg0, %add3A_62, %dma_wait3A_125] : memref<2x10240x128xf32, #tpu.memory_space<hbm>> -> memref<1x80x128xf32, #tpu.memory_space<hbm>>
      %dma_wait3A_127 = tpu.memref_squeeze %dma_wait3A_126 : memref<1x80x128xf32, #tpu.memory_space<hbm>> -> memref<80x128xf32, #tpu.memory_space<hbm>>
      %dma_wait3A_128 = arith.constant 0 : i32
      %dma_wait3A_129 = tpu.memref_slice %arg10[%add3A_58, %dma_wait3A_128] : memref<10240x128xf32, #tpu.memory_space<vmem_shared>> -> memref<80x128xf32, #tpu.memory_space<vmem_shared>>
      tpu.wait_dma2 semaphore(%run_scoped3A_119 : memref<!tpu.dma_semaphore, #tpu.memory_space<semaphore_mem>>) src(%dma_wait3A_129 : memref<80x128xf32, #tpu.memory_space<vmem_shared>>) dst(%dma_wait3A_127 : memref<80x128xf32, #tpu.memory_space<hbm>>)
      tpu.yield
    }) : () -> ()
    %mul3A_63 = arith.constant 640 : i32
    %mul3A_64 = arith.muli %arg1, %mul3A_63 : i32
    %add3A_65 = arith.constant 80 : i32
    %add3A_66 = arith.addi %mul3A_64, %add3A_65 : i32
    %mul3A_67 = arith.constant 640 : i32
    %mul3A_68 = arith.muli %arg1, %mul3A_67 : i32
    %add3A_69 = arith.constant 80 : i32
    %add3A_70 = arith.addi %mul3A_68, %add3A_69 : i32
    "tpu.region"() ({
      %run_scoped3A_119 = tpu.sem_alloc : memref<!tpu.dma_semaphore, #tpu.memory_space<semaphore_mem>>
      %dma_start3A_120 = arith.constant 0 : i32
      %dma_start3A_121 = tpu.memref_slice %arg5[%arg0, %add3A_70, %dma_start3A_120] : memref<2x10240x128xf32, #tpu.memory_space<hbm>> -> memref<1x80x128xf32, #tpu.memory_space<hbm>>
      %dma_start3A_122 = tpu.memref_squeeze %dma_start3A_121 : memref<1x80x128xf32, #tpu.memory_space<hbm>> -> memref<80x128xf32, #tpu.memory_space<hbm>>
      %dma_start3A_123 = arith.constant 0 : i32
      %dma_start3A_124 = tpu.memref_slice %arg10[%add3A_66, %dma_start3A_123] : memref<10240x128xf32, #tpu.memory_space<vmem_shared>> -> memref<80x128xf32, #tpu.memory_space<vmem_shared>>
      tpu.enqueue_dma source(%dma_start3A_124 : memref<80x128xf32, #tpu.memory_space<vmem_shared>>) target(%dma_start3A_122 : memref<80x128xf32, #tpu.memory_space<hbm>>) target_semaphore(%run_scoped3A_119 : memref<!tpu.dma_semaphore, #tpu.memory_space<semaphore_mem>>)
      %dma_wait3A_125 = arith.constant 0 : i32
      %dma_wait3A_126 = tpu.memref_slice %arg5[%arg0, %add3A_70, %dma_wait3A_125] : memref<2x10240x128xf32, #tpu.memory_space<hbm>> -> memref<1x80x128xf32, #tpu.memory_space<hbm>>
      %dma_wait3A_127 = tpu.memref_squeeze %dma_wait3A_126 : memref<1x80x128xf32, #tpu.memory_space<hbm>> -> memref<80x128xf32, #tpu.memory_space<hbm>>
      %dma_wait3A_128 = arith.constant 0 : i32
      %dma_wait3A_129 = tpu.memref_slice %arg10[%add3A_66, %dma_wait3A_128] : memref<10240x128xf32, #tpu.memory_space<vmem_shared>> -> memref<80x128xf32, #tpu.memory_space<vmem_shared>>
      tpu.wait_dma2 semaphore(%run_scoped3A_119 : memref<!tpu.dma_semaphore, #tpu.memory_space<semaphore_mem>>) src(%dma_wait3A_129 : memref<80x128xf32, #tpu.memory_space<vmem_shared>>) dst(%dma_wait3A_127 : memref<80x128xf32, #tpu.memory_space<hbm>>)
      tpu.yield
    }) : () -> ()
    %mul3A_71 = arith.constant 640 : i32
    %mul3A_72 = arith.muli %arg1, %mul3A_71 : i32
    %add3A_73 = arith.constant 160 : i32
    %add3A_74 = arith.addi %mul3A_72, %add3A_73 : i32
    %mul3A_75 = arith.constant 640 : i32
    %mul3A_76 = arith.muli %arg1, %mul3A_75 : i32
    %add3A_77 = arith.constant 160 : i32
    %add3A_78 = arith.addi %mul3A_76, %add3A_77 : i32
    "tpu.region"() ({
      %run_scoped3A_119 = tpu.sem_alloc : memref<!tpu.dma_semaphore, #tpu.memory_space<semaphore_mem>>
      %dma_start3A_120 = arith.constant 0 : i32
      %dma_start3A_121 = tpu.memref_slice %arg5[%arg0, %add3A_78, %dma_start3A_120] : memref<2x10240x128xf32, #tpu.memory_space<hbm>> -> memref<1x80x128xf32, #tpu.memory_space<hbm>>
      %dma_start3A_122 = tpu.memref_squeeze %dma_start3A_121 : memref<1x80x128xf32, #tpu.memory_space<hbm>> -> memref<80x128xf32, #tpu.memory_space<hbm>>
      %dma_start3A_123 = arith.constant 0 : i32
      %dma_start3A_124 = tpu.memref_slice %arg10[%add3A_74, %dma_start3A_123] : memref<10240x128xf32, #tpu.memory_space<vmem_shared>> -> memref<80x128xf32, #tpu.memory_space<vmem_shared>>
      tpu.enqueue_dma source(%dma_start3A_124 : memref<80x128xf32, #tpu.memory_space<vmem_shared>>) target(%dma_start3A_122 : memref<80x128xf32, #tpu.memory_space<hbm>>) target_semaphore(%run_scoped3A_119 : memref<!tpu.dma_semaphore, #tpu.memory_space<semaphore_mem>>)
      %dma_wait3A_125 = arith.constant 0 : i32
      %dma_wait3A_126 = tpu.memref_slice %arg5[%arg0, %add3A_78, %dma_wait3A_125] : memref<2x10240x128xf32, #tpu.memory_space<hbm>> -> memref<1x80x128xf32, #tpu.memory_space<hbm>>
      %dma_wait3A_127 = tpu.memref_squeeze %dma_wait3A_126 : memref<1x80x128xf32, #tpu.memory_space<hbm>> -> memref<80x128xf32, #tpu.memory_space<hbm>>
      %dma_wait3A_128 = arith.constant 0 : i32
      %dma_wait3A_129 = tpu.memref_slice %arg10[%add3A_74, %dma_wait3A_128] : memref<10240x128xf32, #tpu.memory_space<vmem_shared>> -> memref<80x128xf32, #tpu.memory_space<vmem_shared>>
      tpu.wait_dma2 semaphore(%run_scoped3A_119 : memref<!tpu.dma_semaphore, #tpu.memory_space<semaphore_mem>>) src(%dma_wait3A_129 : memref<80x128xf32, #tpu.memory_space<vmem_shared>>) dst(%dma_wait3A_127 : memref<80x128xf32, #tpu.memory_space<hbm>>)
      tpu.yield
    }) : () -> ()
    %mul3A_79 = arith.constant 640 : i32
    %mul3A_80 = arith.muli %arg1, %mul3A_79 : i32
    %add3A_81 = arith.constant 240 : i32
    %add3A_82 = arith.addi %mul3A_80, %add3A_81 : i32
    %mul3A_83 = arith.constant 640 : i32
    %mul3A_84 = arith.muli %arg1, %mul3A_83 : i32
    %add3A_85 = arith.constant 240 : i32
    %add3A_86 = arith.addi %mul3A_84, %add3A_85 : i32
    "tpu.region"() ({
      %run_scoped3A_119 = tpu.sem_alloc : memref<!tpu.dma_semaphore, #tpu.memory_space<semaphore_mem>>
      %dma_start3A_120 = arith.constant 0 : i32
      %dma_start3A_121 = tpu.memref_slice %arg5[%arg0, %add3A_86, %dma_start3A_120] : memref<2x10240x128xf32, #tpu.memory_space<hbm>> -> memref<1x80x128xf32, #tpu.memory_space<hbm>>
      %dma_start3A_122 = tpu.memref_squeeze %dma_start3A_121 : memref<1x80x128xf32, #tpu.memory_space<hbm>> -> memref<80x128xf32, #tpu.memory_space<hbm>>
      %dma_start3A_123 = arith.constant 0 : i32
      %dma_start3A_124 = tpu.memref_slice %arg10[%add3A_82, %dma_start3A_123] : memref<10240x128xf32, #tpu.memory_space<vmem_shared>> -> memref<80x128xf32, #tpu.memory_space<vmem_shared>>
      tpu.enqueue_dma source(%dma_start3A_124 : memref<80x128xf32, #tpu.memory_space<vmem_shared>>) target(%dma_start3A_122 : memref<80x128xf32, #tpu.memory_space<hbm>>) target_semaphore(%run_scoped3A_119 : memref<!tpu.dma_semaphore, #tpu.memory_space<semaphore_mem>>)
      %dma_wait3A_125 = arith.constant 0 : i32
      %dma_wait3A_126 = tpu.memref_slice %arg5[%arg0, %add3A_86, %dma_wait3A_125] : memref<2x10240x128xf32, #tpu.memory_space<hbm>> -> memref<1x80x128xf32, #tpu.memory_space<hbm>>
      %dma_wait3A_127 = tpu.memref_squeeze %dma_wait3A_126 : memref<1x80x128xf32, #tpu.memory_space<hbm>> -> memref<80x128xf32, #tpu.memory_space<hbm>>
      %dma_wait3A_128 = arith.constant 0 : i32
      %dma_wait3A_129 = tpu.memref_slice %arg10[%add3A_82, %dma_wait3A_128] : memref<10240x128xf32, #tpu.memory_space<vmem_shared>> -> memref<80x128xf32, #tpu.memory_space<vmem_shared>>
      tpu.wait_dma2 semaphore(%run_scoped3A_119 : memref<!tpu.dma_semaphore, #tpu.memory_space<semaphore_mem>>) src(%dma_wait3A_129 : memref<80x128xf32, #tpu.memory_space<vmem_shared>>) dst(%dma_wait3A_127 : memref<80x128xf32, #tpu.memory_space<hbm>>)
      tpu.yield
    }) : () -> ()
    %mul3A_87 = arith.constant 640 : i32
    %mul3A_88 = arith.muli %arg1, %mul3A_87 : i32
    %add3A_89 = arith.constant 320 : i32
    %add3A_90 = arith.addi %mul3A_88, %add3A_89 : i32
    %mul3A_91 = arith.constant 640 : i32
    %mul3A_92 = arith.muli %arg1, %mul3A_91 : i32
    %add3A_93 = arith.constant 320 : i32
    %add3A_94 = arith.addi %mul3A_92, %add3A_93 : i32
    "tpu.region"() ({
      %run_scoped3A_119 = tpu.sem_alloc : memref<!tpu.dma_semaphore, #tpu.memory_space<semaphore_mem>>
      %dma_start3A_120 = arith.constant 0 : i32
      %dma_start3A_121 = tpu.memref_slice %arg5[%arg0, %add3A_94, %dma_start3A_120] : memref<2x10240x128xf32, #tpu.memory_space<hbm>> -> memref<1x80x128xf32, #tpu.memory_space<hbm>>
      %dma_start3A_122 = tpu.memref_squeeze %dma_start3A_121 : memref<1x80x128xf32, #tpu.memory_space<hbm>> -> memref<80x128xf32, #tpu.memory_space<hbm>>
      %dma_start3A_123 = arith.constant 0 : i32
      %dma_start3A_124 = tpu.memref_slice %arg10[%add3A_90, %dma_start3A_123] : memref<10240x128xf32, #tpu.memory_space<vmem_shared>> -> memref<80x128xf32, #tpu.memory_space<vmem_shared>>
      tpu.enqueue_dma source(%dma_start3A_124 : memref<80x128xf32, #tpu.memory_space<vmem_shared>>) target(%dma_start3A_122 : memref<80x128xf32, #tpu.memory_space<hbm>>) target_semaphore(%run_scoped3A_119 : memref<!tpu.dma_semaphore, #tpu.memory_space<semaphore_mem>>)
      %dma_wait3A_125 = arith.constant 0 : i32
      %dma_wait3A_126 = tpu.memref_slice %arg5[%arg0, %add3A_94, %dma_wait3A_125] : memref<2x10240x128xf32, #tpu.memory_space<hbm>> -> memref<1x80x128xf32, #tpu.memory_space<hbm>>
      %dma_wait3A_127 = tpu.memref_squeeze %dma_wait3A_126 : memref<1x80x128xf32, #tpu.memory_space<hbm>> -> memref<80x128xf32, #tpu.memory_space<hbm>>
      %dma_wait3A_128 = arith.constant 0 : i32
      %dma_wait3A_129 = tpu.memref_slice %arg10[%add3A_90, %dma_wait3A_128] : memref<10240x128xf32, #tpu.memory_space<vmem_shared>> -> memref<80x128xf32, #tpu.memory_space<vmem_shared>>
      tpu.wait_dma2 semaphore(%run_scoped3A_119 : memref<!tpu.dma_semaphore, #tpu.memory_space<semaphore_mem>>) src(%dma_wait3A_129 : memref<80x128xf32, #tpu.memory_space<vmem_shared>>) dst(%dma_wait3A_127 : memref<80x128xf32, #tpu.memory_space<hbm>>)
      tpu.yield
    }) : () -> ()
    %mul3A_95 = arith.constant 640 : i32
    %mul3A_96 = arith.muli %arg1, %mul3A_95 : i32
    %add3A_97 = arith.constant 400 : i32
    %add3A_98 = arith.addi %mul3A_96, %add3A_97 : i32
    %mul3A_99 = arith.constant 640 : i32
    %mul3A_100 = arith.muli %arg1, %mul3A_99 : i32
    %add3A_101 = arith.constant 400 : i32
    %add3A_102 = arith.addi %mul3A_100, %add3A_101 : i32
    "tpu.region"() ({
      %run_scoped3A_119 = tpu.sem_alloc : memref<!tpu.dma_semaphore, #tpu.memory_space<semaphore_mem>>
      %dma_start3A_120 = arith.constant 0 : i32
      %dma_start3A_121 = tpu.memref_slice %arg5[%arg0, %add3A_102, %dma_start3A_120] : memref<2x10240x128xf32, #tpu.memory_space<hbm>> -> memref<1x80x128xf32, #tpu.memory_space<hbm>>
      %dma_start3A_122 = tpu.memref_squeeze %dma_start3A_121 : memref<1x80x128xf32, #tpu.memory_space<hbm>> -> memref<80x128xf32, #tpu.memory_space<hbm>>
      %dma_start3A_123 = arith.constant 0 : i32
      %dma_start3A_124 = tpu.memref_slice %arg10[%add3A_98, %dma_start3A_123] : memref<10240x128xf32, #tpu.memory_space<vmem_shared>> -> memref<80x128xf32, #tpu.memory_space<vmem_shared>>
      tpu.enqueue_dma source(%dma_start3A_124 : memref<80x128xf32, #tpu.memory_space<vmem_shared>>) target(%dma_start3A_122 : memref<80x128xf32, #tpu.memory_space<hbm>>) target_semaphore(%run_scoped3A_119 : memref<!tpu.dma_semaphore, #tpu.memory_space<semaphore_mem>>)
      %dma_wait3A_125 = arith.constant 0 : i32
      %dma_wait3A_126 = tpu.memref_slice %arg5[%arg0, %add3A_102, %dma_wait3A_125] : memref<2x10240x128xf32, #tpu.memory_space<hbm>> -> memref<1x80x128xf32, #tpu.memory_space<hbm>>
      %dma_wait3A_127 = tpu.memref_squeeze %dma_wait3A_126 : memref<1x80x128xf32, #tpu.memory_space<hbm>> -> memref<80x128xf32, #tpu.memory_space<hbm>>
      %dma_wait3A_128 = arith.constant 0 : i32
      %dma_wait3A_129 = tpu.memref_slice %arg10[%add3A_98, %dma_wait3A_128] : memref<10240x128xf32, #tpu.memory_space<vmem_shared>> -> memref<80x128xf32, #tpu.memory_space<vmem_shared>>
      tpu.wait_dma2 semaphore(%run_scoped3A_119 : memref<!tpu.dma_semaphore, #tpu.memory_space<semaphore_mem>>) src(%dma_wait3A_129 : memref<80x128xf32, #tpu.memory_space<vmem_shared>>) dst(%dma_wait3A_127 : memref<80x128xf32, #tpu.memory_space<hbm>>)
      tpu.yield
    }) : () -> ()
    %mul3A_103 = arith.constant 640 : i32
    %mul3A_104 = arith.muli %arg1, %mul3A_103 : i32
    %add3A_105 = arith.constant 480 : i32
    %add3A_106 = arith.addi %mul3A_104, %add3A_105 : i32
    %mul3A_107 = arith.constant 640 : i32
    %mul3A_108 = arith.muli %arg1, %mul3A_107 : i32
    %add3A_109 = arith.constant 480 : i32
    %add3A_110 = arith.addi %mul3A_108, %add3A_109 : i32
    "tpu.region"() ({
      %run_scoped3A_119 = tpu.sem_alloc : memref<!tpu.dma_semaphore, #tpu.memory_space<semaphore_mem>>
      %dma_start3A_120 = arith.constant 0 : i32
      %dma_start3A_121 = tpu.memref_slice %arg5[%arg0, %add3A_110, %dma_start3A_120] : memref<2x10240x128xf32, #tpu.memory_space<hbm>> -> memref<1x80x128xf32, #tpu.memory_space<hbm>>
      %dma_start3A_122 = tpu.memref_squeeze %dma_start3A_121 : memref<1x80x128xf32, #tpu.memory_space<hbm>> -> memref<80x128xf32, #tpu.memory_space<hbm>>
      %dma_start3A_123 = arith.constant 0 : i32
      %dma_start3A_124 = tpu.memref_slice %arg10[%add3A_106, %dma_start3A_123] : memref<10240x128xf32, #tpu.memory_space<vmem_shared>> -> memref<80x128xf32, #tpu.memory_space<vmem_shared>>
      tpu.enqueue_dma source(%dma_start3A_124 : memref<80x128xf32, #tpu.memory_space<vmem_shared>>) target(%dma_start3A_122 : memref<80x128xf32, #tpu.memory_space<hbm>>) target_semaphore(%run_scoped3A_119 : memref<!tpu.dma_semaphore, #tpu.memory_space<semaphore_mem>>)
      %dma_wait3A_125 = arith.constant 0 : i32
      %dma_wait3A_126 = tpu.memref_slice %arg5[%arg0, %add3A_110, %dma_wait3A_125] : memref<2x10240x128xf32, #tpu.memory_space<hbm>> -> memref<1x80x128xf32, #tpu.memory_space<hbm>>
      %dma_wait3A_127 = tpu.memref_squeeze %dma_wait3A_126 : memref<1x80x128xf32, #tpu.memory_space<hbm>> -> memref<80x128xf32, #tpu.memory_space<hbm>>
      %dma_wait3A_128 = arith.constant 0 : i32
      %dma_wait3A_129 = tpu.memref_slice %arg10[%add3A_106, %dma_wait3A_128] : memref<10240x128xf32, #tpu.memory_space<vmem_shared>> -> memref<80x128xf32, #tpu.memory_space<vmem_shared>>
      tpu.wait_dma2 semaphore(%run_scoped3A_119 : memref<!tpu.dma_semaphore, #tpu.memory_space<semaphore_mem>>) src(%dma_wait3A_129 : memref<80x128xf32, #tpu.memory_space<vmem_shared>>) dst(%dma_wait3A_127 : memref<80x128xf32, #tpu.memory_space<hbm>>)
      tpu.yield
    }) : () -> ()
    %mul3A_111 = arith.constant 640 : i32
    %mul3A_112 = arith.muli %arg1, %mul3A_111 : i32
    %add3A_113 = arith.constant 560 : i32
    %add3A_114 = arith.addi %mul3A_112, %add3A_113 : i32
    %mul3A_115 = arith.constant 640 : i32
    %mul3A_116 = arith.muli %arg1, %mul3A_115 : i32
    %add3A_117 = arith.constant 560 : i32
    %add3A_118 = arith.addi %mul3A_116, %add3A_117 : i32
    "tpu.region"() ({
      %run_scoped3A_119 = tpu.sem_alloc : memref<!tpu.dma_semaphore, #tpu.memory_space<semaphore_mem>>
      %dma_start3A_120 = arith.constant 0 : i32
      %dma_start3A_121 = tpu.memref_slice %arg5[%arg0, %add3A_118, %dma_start3A_120] : memref<2x10240x128xf32, #tpu.memory_space<hbm>> -> memref<1x80x128xf32, #tpu.memory_space<hbm>>
      %dma_start3A_122 = tpu.memref_squeeze %dma_start3A_121 : memref<1x80x128xf32, #tpu.memory_space<hbm>> -> memref<80x128xf32, #tpu.memory_space<hbm>>
      %dma_start3A_123 = arith.constant 0 : i32
      %dma_start3A_124 = tpu.memref_slice %arg10[%add3A_114, %dma_start3A_123] : memref<10240x128xf32, #tpu.memory_space<vmem_shared>> -> memref<80x128xf32, #tpu.memory_space<vmem_shared>>
      tpu.enqueue_dma source(%dma_start3A_124 : memref<80x128xf32, #tpu.memory_space<vmem_shared>>) target(%dma_start3A_122 : memref<80x128xf32, #tpu.memory_space<hbm>>) target_semaphore(%run_scoped3A_119 : memref<!tpu.dma_semaphore, #tpu.memory_space<semaphore_mem>>)
      %dma_wait3A_125 = arith.constant 0 : i32
      %dma_wait3A_126 = tpu.memref_slice %arg5[%arg0, %add3A_118, %dma_wait3A_125] : memref<2x10240x128xf32, #tpu.memory_space<hbm>> -> memref<1x80x128xf32, #tpu.memory_space<hbm>>
      %dma_wait3A_127 = tpu.memref_squeeze %dma_wait3A_126 : memref<1x80x128xf32, #tpu.memory_space<hbm>> -> memref<80x128xf32, #tpu.memory_space<hbm>>
      %dma_wait3A_128 = arith.constant 0 : i32
      %dma_wait3A_129 = tpu.memref_slice %arg10[%add3A_114, %dma_wait3A_128] : memref<10240x128xf32, #tpu.memory_space<vmem_shared>> -> memref<80x128xf32, #tpu.memory_space<vmem_shared>>
      tpu.wait_dma2 semaphore(%run_scoped3A_119 : memref<!tpu.dma_semaphore, #tpu.memory_space<semaphore_mem>>) src(%dma_wait3A_129 : memref<80x128xf32, #tpu.memory_space<vmem_shared>>) dst(%dma_wait3A_127 : memref<80x128xf32, #tpu.memory_space<hbm>>)
      tpu.yield
    }) : () -> ()
    return
  }
}

#map = affine_map<(d0, d1) -> (0, 0, 0, 0)>
#map1 = affine_map<(d0, d1) -> (0, 0)>
module attributes {stable_mosaic.version = 14 : i64} {
  func.func @count_kernel(%arg0: i32, %arg1: i32, %arg2: memref<2x32x125x80xi32, #tpu.memory_space<hbm>>, %arg3: memref<2x10240xf32, #tpu.memory_space<hbm>>, %arg4: memref<125x80xi32, #tpu.memory_space<vmem>>, %arg5: memref<640xf32, #tpu.memory_space<vmem>>, %arg6: memref<80xf32, #tpu.memory_space<vmem>>, %arg7: memref<10240xf32, #tpu.memory_space<vmem_shared>>) attributes {dimension_semantics = [#tpu.dimension_semantics<core_parallel>, #tpu.dimension_semantics<subcore_parallel>], iteration_bounds = array<i64: 2, 16>, scalar_prefetch = 0 : i64, scratch_operands = 4 : i64, tpu.core_type = #tpu.core_type<sc_vector_subcore>, window_params = [{transform_indices = #map}, {transform_indices = #map1}]} {
    %mul3A = arith.constant 16 : i32
    %mul3A_0 = arith.muli %arg0, %mul3A : i32
    %add3A = arith.addi %mul3A_0, %arg1 : i32
    %scan3A = arith.constant 0 : i32
    %scan3A_1 = arith.constant 0 : i32
    %scan3A_2 = arith.constant 40 : i32
    %scan3A_3 = arith.addi %scan3A_1, %scan3A_2 : i32
    %scan3A_4 = arith.constant 1 : i32
    scf.for %scan3A_47 = %scan3A_1 to %scan3A_3 step %scan3A_4  : i32 {
      %broadcast_in_dim3A_48 = arith.constant 0.000000e+00 : f32
      %broadcast_in_dim3A_49 = vector.broadcast %broadcast_in_dim3A_48 : f32 to vector<16xf32>
      %mul3A_50 = arith.constant 16 : i32
      %mul3A_51 = arith.muli %scan3A_47, %mul3A_50 : i32
      %swap3A_52 = arith.index_cast %mul3A_51 : i32 to index
      %swap3A_53 = tpu.vector_load %arg5[%swap3A_52] {strides = array<i32>} : memref<640xf32, #tpu.memory_space<vmem>>, vector<16xf32>,
      %swap3A_54 = vector.shape_cast %swap3A_53 : vector<16xf32> to vector<16xf32>
      %swap3A_55 = vector.shape_cast %broadcast_in_dim3A_49 : vector<16xf32> to vector<16xf32>
      tpu.vector_store %arg5[%swap3A_52], %swap3A_55 {strides = array<i32>} : memref<640xf32, #tpu.memory_space<vmem>>, vector<16xf32>,
    }
    %scan3A_5 = arith.constant 40 : i32
    %broadcast_in_dim3A = arith.constant 1.000000e+00 : f32
    %broadcast_in_dim3A_6 = vector.broadcast %broadcast_in_dim3A : f32 to vector<16xf32>
    %swap3A = arith.constant 0 : index
    %swap3A_7 = tpu.vector_load %arg6[%swap3A] {strides = array<i32>} : memref<80xf32, #tpu.memory_space<vmem>>, vector<16xf32>,
    %swap3A_8 = vector.shape_cast %swap3A_7 : vector<16xf32> to vector<16xf32>
    %swap3A_9 = vector.shape_cast %broadcast_in_dim3A_6 : vector<16xf32> to vector<16xf32>
    tpu.vector_store %arg6[%swap3A], %swap3A_9 {strides = array<i32>} : memref<80xf32, #tpu.memory_space<vmem>>, vector<16xf32>,
    %broadcast_in_dim3A_10 = arith.constant 1.000000e+00 : f32
    %broadcast_in_dim3A_11 = vector.broadcast %broadcast_in_dim3A_10 : f32 to vector<16xf32>
    %swap3A_12 = arith.constant 16 : index
    %swap3A_13 = tpu.vector_load %arg6[%swap3A_12] {strides = array<i32>} : memref<80xf32, #tpu.memory_space<vmem>>, vector<16xf32>,
    %swap3A_14 = vector.shape_cast %swap3A_13 : vector<16xf32> to vector<16xf32>
    %swap3A_15 = vector.shape_cast %broadcast_in_dim3A_11 : vector<16xf32> to vector<16xf32>
    tpu.vector_store %arg6[%swap3A_12], %swap3A_15 {strides = array<i32>} : memref<80xf32, #tpu.memory_space<vmem>>, vector<16xf32>,
    %broadcast_in_dim3A_16 = arith.constant 1.000000e+00 : f32
    %broadcast_in_dim3A_17 = vector.broadcast %broadcast_in_dim3A_16 : f32 to vector<16xf32>
    %swap3A_18 = arith.constant 32 : index
    %swap3A_19 = tpu.vector_load %arg6[%swap3A_18] {strides = array<i32>} : memref<80xf32, #tpu.memory_space<vmem>>, vector<16xf32>,
    %swap3A_20 = vector.shape_cast %swap3A_19 : vector<16xf32> to vector<16xf32>
    %swap3A_21 = vector.shape_cast %broadcast_in_dim3A_17 : vector<16xf32> to vector<16xf32>
    tpu.vector_store %arg6[%swap3A_18], %swap3A_21 {strides = array<i32>} : memref<80xf32, #tpu.memory_space<vmem>>, vector<16xf32>,
    %broadcast_in_dim3A_22 = arith.constant 1.000000e+00 : f32
    %broadcast_in_dim3A_23 = vector.broadcast %broadcast_in_dim3A_22 : f32 to vector<16xf32>
    %swap3A_24 = arith.constant 48 : index
    %swap3A_25 = tpu.vector_load %arg6[%swap3A_24] {strides = array<i32>} : memref<80xf32, #tpu.memory_space<vmem>>, vector<16xf32>,
    %swap3A_26 = vector.shape_cast %swap3A_25 : vector<16xf32> to vector<16xf32>
    %swap3A_27 = vector.shape_cast %broadcast_in_dim3A_23 : vector<16xf32> to vector<16xf32>
    tpu.vector_store %arg6[%swap3A_24], %swap3A_27 {strides = array<i32>} : memref<80xf32, #tpu.memory_space<vmem>>, vector<16xf32>,
    %broadcast_in_dim3A_28 = arith.constant 1.000000e+00 : f32
    %broadcast_in_dim3A_29 = vector.broadcast %broadcast_in_dim3A_28 : f32 to vector<16xf32>
    %swap3A_30 = arith.constant 64 : index
    %swap3A_31 = tpu.vector_load %arg6[%swap3A_30] {strides = array<i32>} : memref<80xf32, #tpu.memory_space<vmem>>, vector<16xf32>,
    %swap3A_32 = vector.shape_cast %swap3A_31 : vector<16xf32> to vector<16xf32>
    %swap3A_33 = vector.shape_cast %broadcast_in_dim3A_29 : vector<16xf32> to vector<16xf32>
    tpu.vector_store %arg6[%swap3A_30], %swap3A_33 {strides = array<i32>} : memref<80xf32, #tpu.memory_space<vmem>>, vector<16xf32>,
    %mul3A_34 = arith.constant 640 : i32
    %mul3A_35 = arith.muli %arg1, %mul3A_34 : i32
    "tpu.region"() ({
      %run_scoped3A_47 = tpu.sem_alloc : memref<!tpu.dma_semaphore, #tpu.memory_space<semaphore_mem>>
      %dma_start3A = tpu.memref_slice %arg7[%mul3A_35] : memref<10240xf32, #tpu.memory_space<vmem_shared>> -> memref<640xf32, #tpu.memory_space<vmem_shared>>
      %dma_start3A_48 = tpu.memref_slice %arg7[%mul3A_35] : memref<10240xf32, #tpu.memory_space<vmem_shared>> -> memref<640xf32, #tpu.memory_space<vmem_shared>>
      tpu.enqueue_dma source(%arg5 : memref<640xf32, #tpu.memory_space<vmem>>) target(%dma_start3A_48 : memref<640xf32, #tpu.memory_space<vmem_shared>>) target_semaphore(%run_scoped3A_47 : memref<!tpu.dma_semaphore, #tpu.memory_space<semaphore_mem>>)
      %dma_wait3A = tpu.memref_slice %arg7[%mul3A_35] : memref<10240xf32, #tpu.memory_space<vmem_shared>> -> memref<640xf32, #tpu.memory_space<vmem_shared>>
      %dma_wait3A_49 = tpu.memref_slice %arg7[%mul3A_35] : memref<10240xf32, #tpu.memory_space<vmem_shared>> -> memref<640xf32, #tpu.memory_space<vmem_shared>>
      tpu.wait_dma2 semaphore(%run_scoped3A_47 : memref<!tpu.dma_semaphore, #tpu.memory_space<semaphore_mem>>) src(%arg5 : memref<640xf32, #tpu.memory_space<vmem>>) dst(%dma_wait3A_49 : memref<640xf32, #tpu.memory_space<vmem_shared>>)
      tpu.yield
    }) : () -> ()
    %barrier3A = arith.constant 0 : index
    tpu.barrier barrier_id(%barrier3A)
    %run_scoped3A = arith.constant 1 : i32
    "tpu.region"() ({
      %run_scoped3A_47 = tpu.sem_alloc : memref<!tpu.dma_semaphore, #tpu.memory_space<semaphore_mem>>
      %dma_start3A = arith.constant 0 : i32
      %dma_start3A_48 = arith.constant 0 : i32
      %dma_start3A_49 = tpu.memref_slice %arg2[%run_scoped3A, %add3A, %dma_start3A, %dma_start3A_48] : memref<2x32x125x80xi32, #tpu.memory_space<hbm>> -> memref<1x1x125x80xi32, #tpu.memory_space<hbm>>
      %dma_start3A_50 = tpu.memref_squeeze %dma_start3A_49 : memref<1x1x125x80xi32, #tpu.memory_space<hbm>> -> memref<125x80xi32, #tpu.memory_space<hbm>>
      %dma_start3A_51 = arith.constant 0 : i32
      %dma_start3A_52 = arith.constant 0 : i32
      %dma_start3A_53 = tpu.memref_slice %arg2[%run_scoped3A, %add3A, %dma_start3A_51, %dma_start3A_52] : memref<2x32x125x80xi32, #tpu.memory_space<hbm>> -> memref<1x1x125x80xi32, #tpu.memory_space<hbm>>
      %dma_start3A_54 = tpu.memref_squeeze %dma_start3A_53 : memref<1x1x125x80xi32, #tpu.memory_space<hbm>> -> memref<125x80xi32, #tpu.memory_space<hbm>>
      tpu.enqueue_dma source(%dma_start3A_54 : memref<125x80xi32, #tpu.memory_space<hbm>>) target(%arg4 : memref<125x80xi32, #tpu.memory_space<vmem>>) target_semaphore(%run_scoped3A_47 : memref<!tpu.dma_semaphore, #tpu.memory_space<semaphore_mem>>)
      %dma_wait3A = arith.constant 0 : i32
      %dma_wait3A_55 = arith.constant 0 : i32
      %dma_wait3A_56 = tpu.memref_slice %arg2[%run_scoped3A, %add3A, %dma_wait3A, %dma_wait3A_55] : memref<2x32x125x80xi32, #tpu.memory_space<hbm>> -> memref<1x1x125x80xi32, #tpu.memory_space<hbm>>
      %dma_wait3A_57 = tpu.memref_squeeze %dma_wait3A_56 : memref<1x1x125x80xi32, #tpu.memory_space<hbm>> -> memref<125x80xi32, #tpu.memory_space<hbm>>
      %dma_wait3A_58 = arith.constant 0 : i32
      %dma_wait3A_59 = arith.constant 0 : i32
      %dma_wait3A_60 = tpu.memref_slice %arg2[%run_scoped3A, %add3A, %dma_wait3A_58, %dma_wait3A_59] : memref<2x32x125x80xi32, #tpu.memory_space<hbm>> -> memref<1x1x125x80xi32, #tpu.memory_space<hbm>>
      %dma_wait3A_61 = tpu.memref_squeeze %dma_wait3A_60 : memref<1x1x125x80xi32, #tpu.memory_space<hbm>> -> memref<125x80xi32, #tpu.memory_space<hbm>>
      tpu.wait_dma2 semaphore(%run_scoped3A_47 : memref<!tpu.dma_semaphore, #tpu.memory_space<semaphore_mem>>) src(%dma_wait3A_61 : memref<125x80xi32, #tpu.memory_space<hbm>>) dst(%arg4 : memref<125x80xi32, #tpu.memory_space<vmem>>)
      tpu.yield
    }) : () -> ()
    %scan3A_36 = arith.constant 0 : i32
    %scan3A_37 = arith.constant 0 : i32
    %scan3A_38 = arith.constant 125 : i32
    %scan3A_39 = arith.addi %scan3A_37, %scan3A_38 : i32
    %scan3A_40 = arith.constant 1 : i32
    scf.for %scan3A_47 = %scan3A_37 to %scan3A_39 step %scan3A_40  : i32 {
      "tpu.region"() ({
        %run_scoped3A_48 = tpu.sem_alloc : memref<!tpu.dma_semaphore, #tpu.memory_space<semaphore_mem>>
        %dma_start3A = arith.constant 0 : i32
        %dma_start3A_49 = tpu.memref_slice %arg4[%scan3A_47, %dma_start3A] : memref<125x80xi32, #tpu.memory_space<vmem>> -> memref<1x80xi32, #tpu.memory_space<vmem>>
        %dma_start3A_50 = tpu.memref_squeeze %dma_start3A_49 : memref<1x80xi32, #tpu.memory_space<vmem>> -> memref<80xi32, #tpu.memory_space<vmem>>
        %dma_start3A_51 = arith.constant 0 : i32
        %dma_start3A_52 = tpu.memref_slice %arg7[%dma_start3A_51] : memref<10240xf32, #tpu.memory_space<vmem_shared>> -> memref<10240xf32, #tpu.memory_space<vmem_shared>>
        tpu.enqueue_indirect_dma source(%arg6 : memref<80xf32, #tpu.memory_space<vmem>>) target(%dma_start3A_52 : memref<10240xf32, #tpu.memory_space<vmem_shared>>) offsets(%dma_start3A_50 : memref<80xi32, #tpu.memory_space<vmem>>) semaphore(%run_scoped3A_48 : memref<!tpu.dma_semaphore, #tpu.memory_space<semaphore_mem>>) {add = true}
        %dma_wait3A = arith.constant 0 : i32
        %dma_wait3A_53 = tpu.memref_slice %arg4[%scan3A_47, %dma_wait3A] : memref<125x80xi32, #tpu.memory_space<vmem>> -> memref<1x80xi32, #tpu.memory_space<vmem>>
        %dma_wait3A_54 = tpu.memref_squeeze %dma_wait3A_53 : memref<1x80xi32, #tpu.memory_space<vmem>> -> memref<80xi32, #tpu.memory_space<vmem>>
        %dma_wait3A_55 = arith.constant 0 : i32
        %dma_wait3A_56 = tpu.memref_slice %arg7[%dma_wait3A_55] : memref<10240xf32, #tpu.memory_space<vmem_shared>> -> memref<10240xf32, #tpu.memory_space<vmem_shared>>
        tpu.wait_indirect_dma semaphore(%run_scoped3A_48 : memref<!tpu.dma_semaphore, #tpu.memory_space<semaphore_mem>>) src(%arg6 : memref<80xf32, #tpu.memory_space<vmem>>) dst(%dma_wait3A_56 : memref<10240xf32, #tpu.memory_space<vmem_shared>>)
        tpu.yield
      }) : () -> ()
    }
    %scan3A_41 = arith.constant 125 : i32
    %barrier3A_42 = arith.constant 0 : index
    tpu.barrier barrier_id(%barrier3A_42)
    %mul3A_43 = arith.constant 640 : i32
    %mul3A_44 = arith.muli %arg1, %mul3A_43 : i32
    %mul3A_45 = arith.constant 640 : i32
    %mul3A_46 = arith.muli %arg1, %mul3A_45 : i32
    "tpu.region"() ({
      %run_scoped3A_47 = tpu.sem_alloc : memref<!tpu.dma_semaphore, #tpu.memory_space<semaphore_mem>>
      %dma_start3A = tpu.memref_slice %arg3[%arg0, %mul3A_46] : memref<2x10240xf32, #tpu.memory_space<hbm>> -> memref<1x640xf32, #tpu.memory_space<hbm>>
      %dma_start3A_48 = tpu.memref_squeeze %dma_start3A : memref<1x640xf32, #tpu.memory_space<hbm>> -> memref<640xf32, #tpu.memory_space<hbm>>
      %dma_start3A_49 = tpu.memref_slice %arg7[%mul3A_44] : memref<10240xf32, #tpu.memory_space<vmem_shared>> -> memref<640xf32, #tpu.memory_space<vmem_shared>>
      tpu.enqueue_dma source(%dma_start3A_49 : memref<640xf32, #tpu.memory_space<vmem_shared>>) target(%dma_start3A_48 : memref<640xf32, #tpu.memory_space<hbm>>) target_semaphore(%run_scoped3A_47 : memref<!tpu.dma_semaphore, #tpu.memory_space<semaphore_mem>>)
      %dma_wait3A = tpu.memref_slice %arg3[%arg0, %mul3A_46] : memref<2x10240xf32, #tpu.memory_space<hbm>> -> memref<1x640xf32, #tpu.memory_space<hbm>>
      %dma_wait3A_50 = tpu.memref_squeeze %dma_wait3A : memref<1x640xf32, #tpu.memory_space<hbm>> -> memref<640xf32, #tpu.memory_space<hbm>>
      %dma_wait3A_51 = tpu.memref_slice %arg7[%mul3A_44] : memref<10240xf32, #tpu.memory_space<vmem_shared>> -> memref<640xf32, #tpu.memory_space<vmem_shared>>
      tpu.wait_dma2 semaphore(%run_scoped3A_47 : memref<!tpu.dma_semaphore, #tpu.memory_space<semaphore_mem>>) src(%dma_wait3A_51 : memref<640xf32, #tpu.memory_space<vmem_shared>>) dst(%dma_wait3A_50 : memref<640xf32, #tpu.memory_space<hbm>>)
      tpu.yield
    }) : () -> ()
    return
  }
}

module attributes {stable_mosaic.version = 14 : i64} {
  func.func @body(%arg0: i32, %arg1: memref<1000x128xf32, #tpu.memory_space<vmem>>, %arg2: memref<128x128xf32, #tpu.memory_space<vmem>>, %arg3: memref<2x1000x1xf32, #tpu.memory_space<vmem>>, %arg4: memref<1000x128xf32, #tpu.memory_space<vmem>>, %arg5: memref<1000x1xf32, #tpu.memory_space<vmem>>) attributes {dimension_semantics = [#tpu.dimension_semantics<arbitrary>], iteration_bounds = array<i64: 10>, scalar_prefetch = 0 : i64, scratch_operands = 0 : i64, tpu.core_type = #tpu.core_type<tc>, window_params = [{transform_indices = @transform_0, window_bounds = array<i64: 1000, 128>}, {pipeline_mode = #tpu.pipeline_mode<synchronous>, transform_indices = @transform_1, window_bounds = array<i64: 128, 128>}, {transform_indices = @transform_2, window_bounds = array<i64: 2, 1000, 1>}, {transform_indices = @transform_3, window_bounds = array<i64: 1000, 128>}, {transform_indices = @transform_4, window_bounds = array<i64: 1000, 1>}]} {
    %get3A = arith.constant 0 : index
    %get3A_0 = arith.constant 0 : index
    %get3A_1 = arith.constant 0 : index
    %get3A_2 = vector.load %arg3[%get3A, %get3A_0, %get3A_1] : memref<2x1000x1xf32, #tpu.memory_space<vmem>>, vector<1x1000x1xf32>
    %get3A_3 = vector.shape_cast %get3A_2 : vector<1x1000x1xf32> to vector<1000x1xf32>
    %get3A_4 = arith.constant 1 : index
    %get3A_5 = arith.constant 0 : index
    %get3A_6 = arith.constant 0 : index
    %get3A_7 = vector.load %arg3[%get3A_4, %get3A_5, %get3A_6] : memref<2x1000x1xf32, #tpu.memory_space<vmem>>, vector<1x1000x1xf32>
    %get3A_8 = vector.shape_cast %get3A_7 : vector<1x1000x1xf32> to vector<1000x1xf32>
    %add3A = arith.addf %get3A_3, %get3A_8 : vector<1000x1xf32>
    %add3A_9 = arith.constant 2.000000e+00 : f32
    %add3A_10 = vector.broadcast %add3A_9 : f32 to vector<1000x1xf32>
    %add3A_11 = arith.addf %add3A, %add3A_10 : vector<1000x1xf32>
    %rsqrt3A = math.rsqrt %add3A_11 : vector<1000x1xf32>
    %get3A_12 = arith.constant 0 : index
    %get3A_13 = arith.constant 0 : index
    %get3A_14 = vector.load %arg1[%get3A_12, %get3A_13] : memref<1000x128xf32, #tpu.memory_space<vmem>>, vector<1000x128xf32>
    %get3A_15 = arith.constant 0 : index
    %get3A_16 = arith.constant 0 : index
    %get3A_17 = vector.load %arg2[%get3A_15, %get3A_16] : memref<128x128xf32, #tpu.memory_space<vmem>>, vector<128x128xf32>
    %dot_general3A = arith.constant dense<0.000000e+00> : vector<1000x128xf32>
    %dot_general3A_18 = tpu.matmul %get3A_14, %get3A_17, %dot_general3A {dimension_numbers = #tpu.dot_dimension_numbers<[1], [0], [0], [1], [0, 0, 1, 1], [], []>, transpose_lhs_hint = false} : vector<1000x128xf32>, vector<128x128xf32>, vector<1000x128xf32> -> vector<1000x128xf32>
    %mul3A = vector.broadcast %rsqrt3A : vector<1000x1xf32> to vector<1000x128xf32>
    %mul3A_19 = arith.mulf %dot_general3A_18, %mul3A : vector<1000x128xf32>
    %swap3A = arith.constant 0 : index
    %swap3A_20 = arith.constant 0 : index
    %swap3A_21 = vector.load %arg4[%swap3A, %swap3A_20] : memref<1000x128xf32, #tpu.memory_space<vmem>>, vector<1000x128xf32>
    tpu.vector_store %arg4[%swap3A, %swap3A_20], %mul3A_19 {strides = array<i32>} : memref<1000x128xf32, #tpu.memory_space<vmem>>, vector<1000x128xf32>,
    %swap3A_22 = arith.constant 0 : index
    %swap3A_23 = arith.constant 0 : index
    %swap3A_24 = vector.load %arg5[%swap3A_22, %swap3A_23] : memref<1000x1xf32, #tpu.memory_space<vmem>>, vector<1000x1xf32>
    tpu.vector_store %arg5[%swap3A_22, %swap3A_23], %rsqrt3A {strides = array<i32>} : memref<1000x1xf32, #tpu.memory_space<vmem>>, vector<1000x1xf32>,
    return
  }
  func.func @transform_0(%arg0: i32) -> (i32, i32) {
    %c0_i32 = arith.constant 0 : i32
    %c0_i32_0 = arith.constant 0 : i32
    return %arg0, %c0_i32 : i32, i32
  }
  func.func @transform_1(%arg0: i32) -> (i32, i32) {
    %c0_i32 = arith.constant 0 : i32
    %c0_i32_0 = arith.constant 0 : i32
    %c0_i32_1 = arith.constant 0 : i32
    return %c0_i32, %c0_i32_0 : i32, i32
  }
  func.func @transform_2(%arg0: i32) -> (i32, i32, i32) {
    %c0_i32 = arith.constant 0 : i32
    %c0_i32_0 = arith.constant 0 : i32
    %c0_i32_1 = arith.constant 0 : i32
    return %c0_i32, %arg0, %c0_i32_0 : i32, i32, i32
  }
  func.func @transform_3(%arg0: i32) -> (i32, i32) {
    %c0_i32 = arith.constant 0 : i32
    %c0_i32_0 = arith.constant 0 : i32
    return %arg0, %c0_i32 : i32, i32
  }
  func.func @transform_4(%arg0: i32) -> (i32, i32) {
    %c0_i32 = arith.constant 0 : i32
    %c0_i32_0 = arith.constant 0 : i32
    return %arg0, %c0_i32 : i32, i32
  }
}

module attributes {stable_mosaic.version = 14 : i64} {
  func.func @body(%arg0: memref<2x10240x128xf32, #tpu.memory_space<vmem>>, %arg1: memref<10000x128xf32, #tpu.memory_space<vmem>>, %arg2: memref<10000x128xf32, #tpu.memory_space<vmem>>, %arg3: memref<10000x1xf32, #tpu.memory_space<vmem>>, %arg4: memref<1x128xf32, #tpu.memory_space<vmem>>, %arg5: memref<1x128xf32, #tpu.memory_space<vmem>>, %arg6: memref<1x128xf32, #tpu.memory_space<vmem>>, %arg7: memref<10000x128xf32, #tpu.memory_space<vmem>>) attributes {dimension_semantics = [], scalar_prefetch = 0 : i64, scratch_operands = 0 : i64, tpu.core_type = #tpu.core_type<tc>} {
    %get3A = arith.constant 0 : index
    %get3A_0 = arith.constant 0 : index
    %get3A_1 = arith.constant 0 : index
    %get3A_2 = vector.load %arg0[%get3A, %get3A_0, %get3A_1] : memref<2x10240x128xf32, #tpu.memory_space<vmem>>, vector<1x10000x128xf32>
    %get3A_3 = vector.shape_cast %get3A_2 : vector<1x10000x128xf32> to vector<10000x128xf32>
    %get3A_4 = arith.constant 1 : index
    %get3A_5 = arith.constant 0 : index
    %get3A_6 = arith.constant 0 : index
    %get3A_7 = vector.load %arg0[%get3A_4, %get3A_5, %get3A_6] : memref<2x10240x128xf32, #tpu.memory_space<vmem>>, vector<1x10000x128xf32>
    %get3A_8 = vector.shape_cast %get3A_7 : vector<1x10000x128xf32> to vector<10000x128xf32>
    %add3A = arith.addf %get3A_3, %get3A_8 : vector<10000x128xf32>
    %get3A_9 = arith.constant 0 : index
    %get3A_10 = arith.constant 0 : index
    %get3A_11 = vector.load %arg3[%get3A_9, %get3A_10] : memref<10000x1xf32, #tpu.memory_space<vmem>>, vector<10000x1xf32>
    %get3A_12 = arith.constant 0 : index
    %get3A_13 = arith.constant 0 : index
    %get3A_14 = vector.load %arg1[%get3A_12, %get3A_13] : memref<10000x128xf32, #tpu.memory_space<vmem>>, vector<10000x128xf32>
    %mul3A = arith.constant 2.000000e+00 : f32
    %mul3A_15 = vector.broadcast %mul3A : f32 to vector<10000x128xf32>
    %mul3A_16 = arith.mulf %mul3A_15, %get3A_14 : vector<10000x128xf32>
    %add3A_17 = arith.addf %add3A, %mul3A_16 : vector<10000x128xf32>
    %mul3A_18 = vector.broadcast %get3A_11 : vector<10000x1xf32> to vector<10000x128xf32>
    %mul3A_19 = arith.mulf %mul3A_18, %add3A_17 : vector<10000x128xf32>
    %get3A_20 = arith.constant 0 : index
    %get3A_21 = arith.constant 0 : index
    %get3A_22 = vector.load %arg4[%get3A_20, %get3A_21] : memref<1x128xf32, #tpu.memory_space<vmem>>, vector<1x128xf32>
    %add3A_23 = vector.broadcast %get3A_22 : vector<1x128xf32> to vector<10000x128xf32>
    %add3A_24 = arith.addf %mul3A_19, %add3A_23 : vector<10000x128xf32>
    %reduce_sum3A = arith.constant dense<0.000000e+00> : vector<128xf32>
    %reduce_sum3A_25 = vector.multi_reduction <add>, %add3A_24, %reduce_sum3A [0] : vector<10000x128xf32> to vector<128xf32>
    %broadcast_in_dim3A = vector.shape_cast %reduce_sum3A_25 : vector<128xf32> to vector<1x128xf32>
    %div3A = arith.constant 1.000000e+04 : f32
    %div3A_26 = vector.broadcast %div3A : f32 to vector<1x128xf32>
    %div3A_27 = arith.divf %broadcast_in_dim3A, %div3A_26 : vector<1x128xf32>
    %sub3A = vector.broadcast %div3A_27 : vector<1x128xf32> to vector<10000x128xf32>
    %sub3A_28 = arith.subf %add3A_24, %sub3A : vector<10000x128xf32>
    %mul3A_29 = arith.mulf %sub3A_28, %sub3A_28 : vector<10000x128xf32>
    %reduce_sum3A_30 = arith.constant dense<0.000000e+00> : vector<128xf32>
    %reduce_sum3A_31 = vector.multi_reduction <add>, %mul3A_29, %reduce_sum3A_30 [0] : vector<10000x128xf32> to vector<128xf32>
    %broadcast_in_dim3A_32 = vector.shape_cast %reduce_sum3A_31 : vector<128xf32> to vector<1x128xf32>
    %div3A_33 = arith.constant 1.000000e+04 : f32
    %div3A_34 = vector.broadcast %div3A_33 : f32 to vector<1x128xf32>
    %div3A_35 = arith.divf %broadcast_in_dim3A_32, %div3A_34 : vector<1x128xf32>
    %add3A_36 = arith.constant 9.99999974E-6 : f32
    %add3A_37 = vector.broadcast %add3A_36 : f32 to vector<1x128xf32>
    %add3A_38 = arith.addf %div3A_35, %add3A_37 : vector<1x128xf32>
    %rsqrt3A = math.rsqrt %add3A_38 : vector<1x128xf32>
    %mul3A_39 = vector.broadcast %rsqrt3A : vector<1x128xf32> to vector<10000x128xf32>
    %mul3A_40 = arith.mulf %sub3A_28, %mul3A_39 : vector<10000x128xf32>
    %get3A_41 = arith.constant 0 : index
    %get3A_42 = arith.constant 0 : index
    %get3A_43 = vector.load %arg5[%get3A_41, %get3A_42] : memref<1x128xf32, #tpu.memory_space<vmem>>, vector<1x128xf32>
    %mul3A_44 = vector.broadcast %get3A_43 : vector<1x128xf32> to vector<10000x128xf32>
    %mul3A_45 = arith.mulf %mul3A_40, %mul3A_44 : vector<10000x128xf32>
    %get3A_46 = arith.constant 0 : index
    %get3A_47 = arith.constant 0 : index
    %get3A_48 = vector.load %arg6[%get3A_46, %get3A_47] : memref<1x128xf32, #tpu.memory_space<vmem>>, vector<1x128xf32>
    %add3A_49 = vector.broadcast %get3A_48 : vector<1x128xf32> to vector<10000x128xf32>
    %add3A_50 = arith.addf %mul3A_45, %add3A_49 : vector<10000x128xf32>
    %max3A = arith.constant 0.000000e+00 : f32
    %max3A_51 = vector.broadcast %max3A : f32 to vector<10000x128xf32>
    %max3A_52 = arith.maximumf %add3A_50, %max3A_51 : vector<10000x128xf32>
    %get3A_53 = arith.constant 0 : index
    %get3A_54 = arith.constant 0 : index
    %get3A_55 = vector.load %arg2[%get3A_53, %get3A_54] : memref<10000x128xf32, #tpu.memory_space<vmem>>, vector<10000x128xf32>
    %add3A_56 = arith.addf %max3A_52, %get3A_55 : vector<10000x128xf32>
    %swap3A = arith.constant 0 : index
    %swap3A_57 = arith.constant 0 : index
    %swap3A_58 = vector.load %arg7[%swap3A, %swap3A_57] : memref<10000x128xf32, #tpu.memory_space<vmem>>, vector<10000x128xf32>
    tpu.vector_store %arg7[%swap3A, %swap3A_57], %add3A_56 {strides = array<i32>} : memref<10000x128xf32, #tpu.memory_space<vmem>>, vector<10000x128xf32>,
    return
  }
}

</mosaic_0001>

<sc_bundles>
// kernel: kernel.6.cloned.1.call-start
scs
__scs_entry_jumppad:
0x0: {  	(pc) =	sbr.rel $0x88, $3  }
0x1: {  	(tag) =	ssettag $0x0;
	lr =	simm.s32 $0x1  }
0x2: {  	[smem:$0x3F9B] =	sst lr;
	_ =	strace $0xD0000000  }
0x3: {  	_ = 	snop  }
0x4: {  	_ = 	snop  }
0x5: {  	_ = 	snop  }
0x6: {  	_ = 	snop  }
0x7: {  	_ = 	snop  }
__scs_overlays_trampoline_lowered:
0x8: {  	[smem:$0x3FAA] =	sst s0  }
0x9: {  	[smem:$0x3FAB] =	sst s1  }
0xa: {  	[smem:$0x3FAC] =	sst s2  }
0xb: {  	[smem:$0x3FAD] =	sst s3  }
0xc: {  	[smem:$0x3FAE] =	sst s4  }
0xd: {  	[smem:$0x3FAF] =	sst s5  }
0xe: {  	[smem:$0x3FB0] =	sst s6  }
0xf: {  	[smem:$0x3FB1] =	sst s7  }
0x10: {  	[smem:$0x3FB2] =	sst s8  }
0x11: {  	[smem:$0x3FB3] =	sst s9;
	s0 =	simm.s32 @!p0 $0x0  }
0x12: {  	s1 =	sld [smem:$0x3F99];
	s0 =	simm.s32 @p0 $0x1  }
0x13: {  	[smem:$0x3FB4] =	sst s0;
	s0 =	simm.s32 @!p1 $0x0  }
0x14: {  	s2 =	sld [smem:$0x3F98];
	s0 =	simm.s32 @p1 $0x1  }
0x15: {  	[smem:$0x3FB5] =	sst s0;
	s0 =	simm.s32 @!p2 $0x0  }
0x16: {  	s3 =	sld [smem:$0x3FDB];
	s0 =	simm.s32 @p2 $0x1  }
0x17: {  	s4 =	simm.s32 $0x1BF5;
	[smem:$0x3FB7] =	sst s0  }
0x18: {  	s0 =	sld [smem:$0x3F9A];
	_ =	swait.ge [sflag:s4], $0x0  }
0x19: {  	s7 =	sld [smem:$0x3F9B]  }
0x1a: {  	s8 =	sadd.s32 $0xFFFFE003, lr  }
0x1b: {  	s9 =	sadd.s32 $0xFFFFFEF7, lr;
	s5 =	simm.s32 $0xFFFFFFFF;
	p2 =	slt.u32 s8, $0xFFFFF086  }
0x1c: {  	p1 =	slt.u32 s9, $0xF7A;
	s5 =	simm.s32 @!p2 $0x0  }
0x1d: {  	s5 =	simm.s32 @p1 $0x1;
	p0 =	seq.s32 s7, s2  }
0x1e: {  	s7 =	smul.u32 @!p0 $0xF7A, s2;
	p2 =	seq.s32 @!p0 s5, $0x0  }
0x1f: {  	s9 =	smul.u32 $0xF7A, s1;
	s8 =	simm.s32 @!p0 $0x1BF5;
	p2 =	por !p2, p0  }
0x20: {  	[sflag:s8] =	ssyncset.s32 @!p0 $0xFFFFF086;
	s6 =	sadd.s32 @!p0 s3, s7;
	s7 =	simm.s32 @!p0 $0x108  }
0x21: {  	s3 =	sadd.s32 s3, s9;
	s6 =	sadd.s32 @!p0 $0x88, s6;
	s7 =	simm.s32 @p2 $0x1082  }
0x22: {  	[simem:s7], [sflag:s8] =	dma.local @!p0 [hbm:s6], $0xF7A  }
0x23: {  	s9 =	sor.u32 $0xD0000000, s2;
	s6 =	simm.s32 $0x108;
	_ =	swait.ge @!p0 [sflag:s8], $0x0  }
0x24: {  	s3 =	sadd.s32 $0x88, s3;
	s6 =	simm.s32 @!p1 $0x1082;
	[sflag:s4] =	ssyncset.s32 $0xFFFFF086  }
0x25: {  	[simem:s6], [sflag:s4] =	dma.local [hbm:s3], $0xF7A  }
0x26: {  	[smem:$0x3F9B] =	sst s1;
	(tag) =	ssettag s2;
	_ =	strace s9  }
0x27: {  	s1 =	sld [smem:$0x3FAB]  }
0x28: {  	s2 =	sld [smem:$0x3FAC]  }
0x29: {  	s4 =	sld [smem:$0x3FAE]  }
0x2a: {  	p0 =	seq.s32 s5, $0x0;
	s5 =	sld [smem:$0x3FAF]  }
0x2b: {  	s6 =	sld [smem:$0x3FB0]  }
0x2c: {  	s7 =	sld [smem:$0x3FB1]  }
0x2d: {  	s3 =	simm.s32 $0x108;
	s8 =	sld [smem:$0x3FB2]  }
0x2e: {  	s3 =	simm.s32 @!p0 $0x1082;
	s9 =	sld [smem:$0x3FB3]  }
0x2f: {  	lr =	sadd.s32 s0, s3;
	s0 =	sld [smem:$0x3FAA]  }
0x30: {  	s3 =	sld [smem:$0x3FAD]  }
0x31: {  	[smem:$0x3FB6] =	sst s10  }
0x32: {  	s10 =	sld [smem:$0x3FB4];
	_ =	sdelay $0x3  }
0x33: {  	p0 =	seq.s32 s10, $0x1;
	s10 =	sld [smem:$0x3FB6];
	_ =	sdelay $0x3  }
0x34: {  	[smem:$0x3FB6] =	sst s10  }
0x35: {  	s10 =	sld [smem:$0x3FB5];
	_ =	sdelay $0x3  }
0x36: {  	p1 =	seq.s32 s10, $0x1;
	s10 =	sld [smem:$0x3FB6];
	_ =	sdelay $0x3  }
0x37: {  	[smem:$0x3FB6] =	sst s10  }
0x38: {  	s10 =	sld [smem:$0x3FB7]  }
0x39: {  	_ = 	snop;
	(pc) =	sbr.ind lr, $3  }
0x3a: {  	_ = 	snop  }
0x3b: {  	_ = 	snop  }
0x3c: {  	p2 =	seq.s32 s10, $0x1;
	s10 =	sld [smem:$0x3FB6]  }
0x3d: {  	_ =	shalt  }
0x3e: {  	_ =	shalt  }
0x3f: {  	_ =	shalt  }
0x40: {  	_ =	shalt  }
0x41: {  	_ =	shalt  }
0x42: {  	_ =	shalt  }
0x43: {  	_ =	shalt  }
0x44: {  	_ =	shalt  }
0x45: {  	_ =	shalt  }
0x46: {  	_ =	shalt  }
0x47: {  	_ =	shalt  }
0x48: {  	_ =	shalt  }
0x49: {  	_ =	shalt  }
0x4a: {  	_ =	shalt  }
0x4b: {  	_ =	shalt  }
0x4c: {  	_ =	shalt  }
0x4d: {  	_ =	shalt  }
0x4e: {  	_ =	shalt  }
0x4f: {  	_ =	shalt  }
0x50: {  	_ =	shalt  }
0x51: {  	_ =	shalt  }
0x52: {  	_ =	shalt  }
0x53: {  	_ =	shalt  }
0x54: {  	_ =	shalt  }
0x55: {  	_ =	shalt  }
0x56: {  	_ =	shalt  }
0x57: {  	_ =	shalt  }
0x58: {  	_ =	shalt  }
0x59: {  	_ =	shalt  }
0x5a: {  	_ =	shalt  }
0x5b: {  	_ =	shalt  }
0x5c: {  	_ =	shalt  }
0x5d: {  	_ =	shalt  }
0x5e: {  	_ =	shalt  }
0x5f: {  	_ =	shalt  }
0x60: {  	_ =	shalt  }
0x61: {  	_ =	shalt  }
0x62: {  	_ =	shalt  }
0x63: {  	_ =	shalt  }
0x64: {  	_ =	shalt  }
0x65: {  	_ =	shalt  }
0x66: {  	_ =	shalt  }
0x67: {  	_ =	shalt  }
0x68: {  	_ =	shalt  }
0x69: {  	_ =	shalt  }
0x6a: {  	_ =	shalt  }
0x6b: {  	_ =	shalt  }
0x6c: {  	_ =	shalt  }
0x6d: {  	_ =	shalt  }
0x6e: {  	_ =	shalt  }
0x6f: {  	_ =	shalt  }
0x70: {  	_ =	shalt  }
0x71: {  	_ =	shalt  }
0x72: {  	_ =	shalt  }
0x73: {  	_ =	shalt  }
0x74: {  	_ =	shalt  }
0x75: {  	_ =	shalt  }
0x76: {  	_ =	shalt  }
0x77: {  	_ =	shalt  }
0x78: {  	_ =	shalt  }
0x79: {  	_ =	shalt  }
0x7a: {  	_ =	shalt  }
0x7b: {  	_ =	shalt  }
0x7c: {  	_ =	shalt  }
0x7d: {  	_ =	shalt  }
0x7e: {  	_ =	shalt  }
0x7f: {  	_ =	shalt  }
0x80: {  	_ =	shalt  }
0x81: {  	_ =	shalt  }
0x82: {  	_ =	shalt  }
0x83: {  	_ =	shalt  }
0x84: {  	_ =	shalt  }
0x85: {  	_ =	shalt  }
0x86: {  	_ =	shalt  }
0x87: {  	_ =	shalt  }
.Lfunc_end0:
.L_simem_size_0:
called_computation_lowered:
.L_overlay_start_0:
0x88: {  	s2 =	sld [smem:$0x3FD9]  }
0x89: {  	s3 =	sld [smem:$0x3FFE];
	_ =	sdelay $0x1  }
0x8a: {  	s1 =	srdreg.scid  }
0x8b: {  	s0 =	sand.u32 $0x1, s1  }
0x8c: {  	s17 =	sshll.u32 s0, $0xA;
	s2 =	sadd.s32 s3, s2  }
0x8d: {  	s2 =	sadd.s32 s2, s17  }
0x8e: {  	[smem:$0x3FC2] =	sst s2  }
0x8f: {  	_ = 	snop  }
0x90: {  	s2 =	sld [smem:$0x3FD0];
	(tm) =	ssettm $0x1  }
0x91: {  	s18 =	sld [smem:$0x3FFB];
	_ =	sdelay $0x3  }
0x92: {  	_ =	strace s18  }
0x93: {  	s3 =	sld [smem:$0x3FFC];
	_ =	sdelay $0x3  }
0x94: {  	_ =	strace s3  }
0x95: {  	s3 =	sld [smem:$0x3FFD];
	_ =	sdelay $0x3  }
0x96: {  	_ =	strace s3  }
0x97: {  	_ =	strace $0x8FFFFFFF  }
0x98: {  	s19 =	sld [smem:$0x3FDB];
	_ =	sdelay $0x1  }
0x99: {  	s4 =	simm.s32 $_scs_section_size  }
0x9a: {  	s5 =	simm.s32 $_size__tile_overlayer_lowered;
	s6 =	simm.s32 $_tile_overlayer_lowered  }
0x9b: {  	s22 =	simm.s32 $0x1BFF;
	s21 =	sshll.u32 s6, $0x1;
	s3 =	sadd.s32 s4, s19  }
0x9c: {  	s7 =	simm.s32 $0x0;
	s20 =	sshll.u32 s5, $0x1;
	s5 =	sadd.s32 s21, s3  }
0x9d: {  	[timem:s7], [sflag:s22] =	dma.local [hbm:s5], s20  }
0x9e: {  	_ =	swait.ge [sflag:s22], s20  }
0x9f: {  	s4 =	ssub.s32 $0x0, s20;
	[sflag:s22] =	ssyncset.done $0x0  }
0xa0: {  	[sflag:s22] =	ssyncadd.s32 s4;
	_ =	sdelay $0x1  }
0xa1: {  	s23 =	simm.s32 $0x1B8B  }
0xa2: {  	_ =	swait.ge [sflag:s23], $0x1  }
0xa3: {  	[sflag:s23] =	ssyncset.done $0x0  }
0xa4: {  	s25 =	simm.s32 $0x1B8E;
	s24 =	sld [smem:$0x3FFE];
	[sflag:s23] =	ssyncadd.s32 $0xFFFFFFFF  }
0xa5: {  	s26 =	simm.s32 $execute0_lowered;
	[smem:$0x3FD2] =	sst s25  }
0xa6: {  	s5 =	sshll.u32 s26, $0x1;
	_ =	strace $0x80000046;
	[dreg:$0x1] =	wrdreg $0xFFFFFFFF  }
0xa7: {  	s28 =	simm.s32 $_size_execute0_lowered;
	s3 =	sadd.s32 s3, s5;
	[dreg:$0x0] =	wrdreg $0x0  }
0xa8: {  	s5 =	sshll.u32 s28, $0x1;
	[dreg:$0x2] =	wrdreg s3  }
0xa9: {  	[dreg:$0x3] =	wrdreg s5  }
0xaa: {  	[dreg:$0x4] =	wrdreg $0xC0  }
0xab: {  	_ =	task [dreg:s7], $0x5FFFF  }
0xac: {  	[dreg:$0x1] =	wrdreg $0xFFFFFFFF  }
0xad: {  	[dreg:$0x0] =	wrdreg $0x60  }
0xae: {  	[dreg:$0x2] =	wrdreg s24  }
0xaf: {  	[dreg:$0x3] =	wrdreg s2  }
0xb0: {  	[dreg:$0x4] =	wrdreg $0x43000  }
0xb1: {  	[dreg:$0x5] =	wrdreg $0x9  }
0xb2: {  	_ =	task.clear_ibuf [dreg:s7], $0x6FFFF;
	_ =	strace $0x90000046  }
0xb3: {  	s29 =	simm.s32 $0x9;
	_ =	strace $0x80000048  }
0xb4: {  	_ =	swait.ge [sflag:s29], $0x1  }
0xb5: {  	[sflag:s29] =	ssyncadd.s32 $0xFFFFFFFF  }
0xb6: {  	_ =	strace $0x90000048  }
0xb7: {  	_ =	sfence  }
0xb8: {  	s30 =	sld [smem:$0x0];
	_ =	sdelay $0x2  }
0xb9: {  	s31 =	sshll.u32 s1, $0xD;
	s1 =	sshrl.u32 s1, $0x2  }
0xba: {  	s3 =	sand.u32 $0x4000, s31;
	s1 =	sadd.s32 s1, s30  }
0xbb: {  	s0 =	sor.u32 s3, s0;
	s1 =	sshll.u32 s1, $0x11  }
0xbc: {  	s0 =	sor.u32 s1, s0  }
0xbd: {  	s0 =	sadd.s32 $0x8F2B, s0  }
0xbe: {  	[sflag:s0] =	ssyncadd.remote.s32 $0x1  }
0xbf: {  	_ =	sfence.sel $0xFFFF  }
0xc0: {  	[dreg:$0x0] =	wrdreg $0xFFFFFFFF;
	(pc) =	sbr.abs _section_cstart, $3  }
0xc1: {  	[dreg:$0x1] =	wrdreg $0xFFFFFFFF  }
0xc2: {  	_ =	task.clear_ibuf [dreg:s7], $0x2FFFF;
	_ =	strace $0x9FFFFFFF  }
0xc3: {  	(tm) =	ssettm $0x7FFFFFFF  }
tec
execute0_lowered:
.L_overlay_start_1:
0x0: {  	(tag) =	ssettag $0x1  }
0x1: {  	s4 =	rddreg [dreg:$0x0]  }
0x2: {  	s6 =	rddreg [dreg:$0x1]  }
0x3: {  	s1 =	rddreg [dreg:$0x2]  }
0x4: {  	s0 =	rddreg [dreg:$0x3]  }
0x5: {  	s3 =	simm.s32 $0x0;
	s5 =	srdreg.scid;
	s2 =	stileid.u32  }
0x6: {  	s11 =	simm.s32 $0x4280;
	s14 =	simm.s32 $0x20;
	s15 =	simm.s32 $0x10  }
0x7: {  	s16 =	simm.s32 $0x0;
	[smem:$0x7FF] =	sst s3;
	s9 =	smul.u32 $0xA00, s2  }
0x8: {  	s5 =	sand.u32 $0x1, s5;
	s7 =	sshll.u32 s2, $0xB;
	s10 =	smul.u32 $0x500, s2  }
0x9: {  	s12 =	sshll.u32 s2, $0x6;
	_ =	strace $0x80000047;
	s8 =	ssub.s32 $0x2, s5  }
0xa: {  	s4 =	sadd.s32 s7, s4;
	s30 =	sshll.u32 s5, $0xF;
	s5 =	sshll.u32 s5, $0x7  }
0xb: {  	s12 =	sor.u32 $0x1C01, s12;
	s29 =	sshrl.u32 s8, $0x1;
	s9 =	sshrl.u32 s9, $0x2  }
0xc: {  	s10 =	sor.u32 s5, s10;
	s7 =	ssub.s32 s8, s29;
	s8 =	sadd.s32 s30, s4  }
0xd: {  	s4 =	sadd.s32 s9, s1;
	s31 =	sshrl.u32 s10, $0x3;
	s9 =	simm.s32 $0x1  }
0xe: {  	s10 =	simm.s32 $0x50;
	s5 =	sadd.s32 $0x12000, s8;
	s6 =	sadd.s32 s6, s31  }
0xf: {  	v0 =	vimm.f32 $0.0e+00;
	v1 =	vimm.f32 $1.000000000e+00;
	s7 =	smax.u32 s7, $0x1;
	s8 =	simm.s32 $0x4000;
	s13 =	sshrl.u32 s4, $0x3  }
.LBB2_1:
0x10: {  	[tilespmem:$0x4000] =	vst v0  }
0x11: {  	[tilespmem:$0x4010] =	vst v0  }
0x12: {  	[tilespmem:$0x4020] =	vst v0  }
0x13: {  	[tilespmem:$0x4030] =	vst v0  }
0x14: {  	[tilespmem:$0x4040] =	vst v0  }
0x15: {  	[tilespmem:$0x4050] =	vst v0  }
0x16: {  	[tilespmem:$0x4060] =	vst v0  }
0x17: {  	[tilespmem:$0x4070] =	vst v0  }
0x18: {  	[tilespmem:$0x4080] =	vst v0  }
0x19: {  	[tilespmem:$0x4090] =	vst v0  }
0x1a: {  	[tilespmem:$0x40A0] =	vst v0  }
0x1b: {  	[tilespmem:$0x40B0] =	vst v0  }
0x1c: {  	[tilespmem:$0x40C0] =	vst v0  }
0x1d: {  	[tilespmem:$0x40D0] =	vst v0  }
0x1e: {  	[tilespmem:$0x40E0] =	vst v0  }
0x1f: {  	[tilespmem:$0x40F0] =	vst v0  }
0x20: {  	[tilespmem:$0x4100] =	vst v0  }
0x21: {  	[tilespmem:$0x4110] =	vst v0  }
0x22: {  	[tilespmem:$0x4120] =	vst v0  }
0x23: {  	[tilespmem:$0x4130] =	vst v0  }
0x24: {  	[tilespmem:$0x4140] =	vst v0  }
0x25: {  	[tilespmem:$0x4150] =	vst v0  }
0x26: {  	[tilespmem:$0x4160] =	vst v0  }
0x27: {  	[tilespmem:$0x4170] =	vst v0  }
0x28: {  	[tilespmem:$0x4180] =	vst v0  }
0x29: {  	[tilespmem:$0x4190] =	vst v0  }
0x2a: {  	[tilespmem:$0x41A0] =	vst v0  }
0x2b: {  	[tilespmem:$0x41B0] =	vst v0  }
0x2c: {  	[tilespmem:$0x41C0] =	vst v0  }
0x2d: {  	[tilespmem:$0x41D0] =	vst v0  }
0x2e: {  	[tilespmem:$0x41E0] =	vst v0  }
0x2f: {  	[tilespmem:$0x41F0] =	vst v0  }
0x30: {  	[tilespmem:$0x4200] =	vst v0  }
0x31: {  	[tilespmem:$0x4210] =	vst v0  }
0x32: {  	[tilespmem:$0x4220] =	vst v0  }
0x33: {  	[tilespmem:$0x4230] =	vst v0  }
0x34: {  	[tilespmem:$0x4240] =	vst v0  }
0x35: {  	[tilespmem:$0x4250] =	vst v0  }
0x36: {  	[tilespmem:$0x4260] =	vst v0  }
0x37: {  	[tilespmem:$0x4270] =	vst v0  }
0x38: {  	[tilespmem:$0x4280] =	vst v1  }
0x39: {  	[tilespmem:$0x4290] =	vst v1  }
0x3a: {  	[tilespmem:$0x42A0] =	vst v1  }
0x3b: {  	[tilespmem:$0x42B0] =	vst v1  }
0x3c: {  	[tilespmem:$0x42C0] =	vst v1  }
0x3d: {  	[spmem:s4] =	stream.linear.scatter [tilespmem:s8], [sflag:$0x1], $0x280, $0x38;
	[tilespmem:$0x4580] =	vst v63  }
0x3e: {  	_ =	swait.ge [sflag:s9], $0x280  }
0x3f: {  	[sflag:s9] =	ssyncset.done $0x0  }
0x40: {  	[sflag:s9] =	ssyncadd.s32 $0xFFFFFD80  }
0x41: {  	[bflag:$0x0] =	sbarrier.arrive $0xFFFF  }
0x42: {  	[tilespmem:s3], [sflag:$0x1] =	stream.linear.gather [hbm4b:s5+s3], $0x3E80, $0x38;
	[tilespmem:$0x4580] =	vst v63  }
0x43: {  	_ =	swait.ge [sflag:s9], $0x3E80  }
0x44: {  	[sflag:s9] =	ssyncset.done $0x0  }
0x45: {  	s17 =	simm.s32 $0x0;
	[sflag:s9] =	ssyncadd.s32 $0xFFFFC180  }
0x46: {  	[spmem:s1] =	stream.indirect.scatter.add.f32 [tilespmem:s11], [sflag:$0x1], $0x1, s17, s10, $0xb8;
	[tilespmem:$0x4580] =	vst v63  }
0x47: {  	_ =	swait.ge [sflag:s9], $0x50  }
0x48: {  	s17 =	simm.s32 $0x200;
	[sflag:s9] =	ssyncset.done $0x0  }
.LBB2_2:
0x49: {  	s18 =	sshra.s32 s17, $0x2;
	[sflag:s9] =	ssyncadd.s32 $0xFFFFFFB0;
	p0 =	sne.s32 s17, $0xF800  }
0x4a: {  	[spmem:s1] =	stream.indirect.scatter.add.f32 [tilespmem:s11], [sflag:$0x1], $0x1, s18, s10, $0xb8;
	[tilespmem:$0x4580] =	vst v63  }
.Ltmp0:
0x4b: {  	_ = 	snop;
	(pc) =	sbr.rel @p0 .LBB2_2-.Ltmp0, $4  }
0x4c: {  	_ = 	snop  }
0x4d: {  	s17 =	sadd.s32 $0x200, s17  }
0x4e: {  	_ =	swait.ge [sflag:s9], $0x50  }
0x4f: {  	[sflag:s9] =	ssyncset.done $0x0  }
0x50: {  	s16 =	sadd.s32 $0x1, s16  }
0x51: {  	[sflag:s9] =	ssyncadd.s32 $0xFFFFFFB0;
	p0 =	sne.s32 s16, s7  }
.Ltmp1:
0x52: {  	[bflag:$0x0] =	sbarrier.arrive $0xFFFF;
	(pc) =	sbr.rel @p0 .LBB2_1-.Ltmp1, $4  }
0x53: {  	[hbm:s6@s14], [sflag:s12] =	dma.strided [spmem:s13@s15], $0x50, s9, $0x10   }
0x54: {  	_ =	swait.ge [sflag:s9], $0x50  }
0x55: {  	[sflag:s9] =	ssyncset.done $0x0  }
0x56: {  	[sflag:s9] =	ssyncadd.s32 $0xFFFFFFB0  }
0x57: {  	_ =	sfence.sel $0x180000  }
0x58: {  	[bflag:$0x0] =	sbarrier.arrive $0xFFFF  }
0x59: {  	p0 =	sne.s32 s2, $0x0;
	_ =	strace $0x90000047  }
0x5a: {  	s0 =	sadd.s32 @!p0 $0x100000, s0;
	[bflag:$0x2] =	sbarrier.arrive $0xFFFF  }
0x5b: {  	[sflag:s0] =	ssyncadd.tile.s32 @!p0 $0x1;
	_ =	shalt  }
.Lfunc_end2:
_tile_overlayer_lowered:
.L_overlay_start_2:
0x5c: {  	(tag) =	ssettag $0x2  }
0x5d: {  	s0 =	rddreg [dreg:$0x0];
	s2 =	stileid.u32  }
0x5e: {  	s1 =	rddreg [dreg:$0x1];
	p0 =	sne.s32 s2, $0x0  }
0x5f: {  	s3 =	rddreg [dreg:$0x2];
	[bflag:$0x3] =	sbarrier.arrive $0xFFFF;
	s2 =	simm.s32 @!p0 $0x1C01  }
0x60: {  	[timem:s3], [sflag:s2] =	dma.local @!p0 [hbm:s0], s1  }
0x61: {  	s0 =	simm.s32 @!p0 $0x1  }
0x62: {  	_ =	swait.ge @!p0 [sflag:s0], s1  }
0x63: {  	s1 =	ssub.s32 @!p0 $0x0, s1;
	[sflag:s0] =	ssyncset.done @!p0 $0x0  }
0x64: {  	[sflag:s0] =	ssyncadd.s32 @!p0 s1  }
0x65: {  	[bflag:$0x3] =	sbarrier.arrive $0xFFFF  }
0x66: {  	_ =	shalt  }

// kernel: kernel.9.cloned.1.call-start
scs
__scs_entry_jumppad:
0x0: {  	(pc) =	sbr.rel $0x88, $3  }
0x1: {  	(tag) =	ssettag $0x0;
	lr =	simm.s32 $0x1  }
0x2: {  	[smem:$0x3F9B] =	sst lr;
	_ =	strace $0xD0000000  }
0x3: {  	_ = 	snop  }
0x4: {  	_ = 	snop  }
0x5: {  	_ = 	snop  }
0x6: {  	_ = 	snop  }
0x7: {  	_ = 	snop  }
__scs_overlays_trampoline_lowered:
0x8: {  	[smem:$0x3FAA] =	sst s0  }
0x9: {  	[smem:$0x3FAB] =	sst s1  }
0xa: {  	[smem:$0x3FAC] =	sst s2  }
0xb: {  	[smem:$0x3FAD] =	sst s3  }
0xc: {  	[smem:$0x3FAE] =	sst s4  }
0xd: {  	[smem:$0x3FAF] =	sst s5  }
0xe: {  	[smem:$0x3FB0] =	sst s6  }
0xf: {  	[smem:$0x3FB1] =	sst s7  }
0x10: {  	[smem:$0x3FB2] =	sst s8  }
0x11: {  	[smem:$0x3FB3] =	sst s9;
	s0 =	simm.s32 @!p0 $0x0  }
0x12: {  	s1 =	sld [smem:$0x3F99];
	s0 =	simm.s32 @p0 $0x1  }
0x13: {  	[smem:$0x3FB4] =	sst s0;
	s0 =	simm.s32 @!p1 $0x0  }
0x14: {  	s2 =	sld [smem:$0x3F98];
	s0 =	simm.s32 @p1 $0x1  }
0x15: {  	[smem:$0x3FB5] =	sst s0;
	s0 =	simm.s32 @!p2 $0x0  }
0x16: {  	s3 =	sld [smem:$0x3FDB];
	s0 =	simm.s32 @p2 $0x1  }
0x17: {  	s4 =	simm.s32 $0x1BF5;
	[smem:$0x3FB7] =	sst s0  }
0x18: {  	s0 =	sld [smem:$0x3F9A];
	_ =	swait.ge [sflag:s4], $0x0  }
0x19: {  	s7 =	sld [smem:$0x3F9B]  }
0x1a: {  	s8 =	sadd.s32 $0xFFFFE003, lr  }
0x1b: {  	s9 =	sadd.s32 $0xFFFFFEF7, lr;
	s5 =	simm.s32 $0xFFFFFFFF;
	p2 =	slt.u32 s8, $0xFFFFF086  }
0x1c: {  	p1 =	slt.u32 s9, $0xF7A;
	s5 =	simm.s32 @!p2 $0x0  }
0x1d: {  	s5 =	simm.s32 @p1 $0x1;
	p0 =	seq.s32 s7, s2  }
0x1e: {  	s7 =	smul.u32 @!p0 $0xF7A, s2;
	p2 =	seq.s32 @!p0 s5, $0x0  }
0x1f: {  	s9 =	smul.u32 $0xF7A, s1;
	s8 =	simm.s32 @!p0 $0x1BF5;
	p2 =	por !p2, p0  }
0x20: {  	[sflag:s8] =	ssyncset.s32 @!p0 $0xFFFFF086;
	s6 =	sadd.s32 @!p0 s3, s7;
	s7 =	simm.s32 @!p0 $0x108  }
0x21: {  	s3 =	sadd.s32 s3, s9;
	s6 =	sadd.s32 @!p0 $0x88, s6;
	s7 =	simm.s32 @p2 $0x1082  }
0x22: {  	[simem:s7], [sflag:s8] =	dma.local @!p0 [hbm:s6], $0xF7A  }
0x23: {  	s9 =	sor.u32 $0xD0000000, s2;
	s6 =	simm.s32 $0x108;
	_ =	swait.ge @!p0 [sflag:s8], $0x0  }
0x24: {  	s3 =	sadd.s32 $0x88, s3;
	s6 =	simm.s32 @!p1 $0x1082;
	[sflag:s4] =	ssyncset.s32 $0xFFFFF086  }
0x25: {  	[simem:s6], [sflag:s4] =	dma.local [hbm:s3], $0xF7A  }
0x26: {  	[smem:$0x3F9B] =	sst s1;
	(tag) =	ssettag s2;
	_ =	strace s9  }
0x27: {  	s1 =	sld [smem:$0x3FAB]  }
0x28: {  	s2 =	sld [smem:$0x3FAC]  }
0x29: {  	s4 =	sld [smem:$0x3FAE]  }
0x2a: {  	p0 =	seq.s32 s5, $0x0;
	s5 =	sld [smem:$0x3FAF]  }
0x2b: {  	s6 =	sld [smem:$0x3FB0]  }
0x2c: {  	s7 =	sld [smem:$0x3FB1]  }
0x2d: {  	s3 =	simm.s32 $0x108;
	s8 =	sld [smem:$0x3FB2]  }
0x2e: {  	s3 =	simm.s32 @!p0 $0x1082;
	s9 =	sld [smem:$0x3FB3]  }
0x2f: {  	lr =	sadd.s32 s0, s3;
	s0 =	sld [smem:$0x3FAA]  }
0x30: {  	s3 =	sld [smem:$0x3FAD]  }
0x31: {  	[smem:$0x3FB6] =	sst s10  }
0x32: {  	s10 =	sld [smem:$0x3FB4];
	_ =	sdelay $0x3  }
0x33: {  	p0 =	seq.s32 s10, $0x1;
	s10 =	sld [smem:$0x3FB6];
	_ =	sdelay $0x3  }
0x34: {  	[smem:$0x3FB6] =	sst s10  }
0x35: {  	s10 =	sld [smem:$0x3FB5];
	_ =	sdelay $0x3  }
0x36: {  	p1 =	seq.s32 s10, $0x1;
	s10 =	sld [smem:$0x3FB6];
	_ =	sdelay $0x3  }
0x37: {  	[smem:$0x3FB6] =	sst s10  }
0x38: {  	s10 =	sld [smem:$0x3FB7]  }
0x39: {  	_ = 	snop;
	(pc) =	sbr.ind lr, $3  }
0x3a: {  	_ = 	snop  }
0x3b: {  	_ = 	snop  }
0x3c: {  	p2 =	seq.s32 s10, $0x1;
	s10 =	sld [smem:$0x3FB6]  }
0x3d: {  	_ =	shalt  }
0x3e: {  	_ =	shalt  }
0x3f: {  	_ =	shalt  }
0x40: {  	_ =	shalt  }
0x41: {  	_ =	shalt  }
0x42: {  	_ =	shalt  }
0x43: {  	_ =	shalt  }
0x44: {  	_ =	shalt  }
0x45: {  	_ =	shalt  }
0x46: {  	_ =	shalt  }
0x47: {  	_ =	shalt  }
0x48: {  	_ =	shalt  }
0x49: {  	_ =	shalt  }
0x4a: {  	_ =	shalt  }
0x4b: {  	_ =	shalt  }
0x4c: {  	_ =	shalt  }
0x4d: {  	_ =	shalt  }
0x4e: {  	_ =	shalt  }
0x4f: {  	_ =	shalt  }
0x50: {  	_ =	shalt  }
0x51: {  	_ =	shalt  }
0x52: {  	_ =	shalt  }
0x53: {  	_ =	shalt  }
0x54: {  	_ =	shalt  }
0x55: {  	_ =	shalt  }
0x56: {  	_ =	shalt  }
0x57: {  	_ =	shalt  }
0x58: {  	_ =	shalt  }
0x59: {  	_ =	shalt  }
0x5a: {  	_ =	shalt  }
0x5b: {  	_ =	shalt  }
0x5c: {  	_ =	shalt  }
0x5d: {  	_ =	shalt  }
0x5e: {  	_ =	shalt  }
0x5f: {  	_ =	shalt  }
0x60: {  	_ =	shalt  }
0x61: {  	_ =	shalt  }
0x62: {  	_ =	shalt  }
0x63: {  	_ =	shalt  }
0x64: {  	_ =	shalt  }
0x65: {  	_ =	shalt  }
0x66: {  	_ =	shalt  }
0x67: {  	_ =	shalt  }
0x68: {  	_ =	shalt  }
0x69: {  	_ =	shalt  }
0x6a: {  	_ =	shalt  }
0x6b: {  	_ =	shalt  }
0x6c: {  	_ =	shalt  }
0x6d: {  	_ =	shalt  }
0x6e: {  	_ =	shalt  }
0x6f: {  	_ =	shalt  }
0x70: {  	_ =	shalt  }
0x71: {  	_ =	shalt  }
0x72: {  	_ =	shalt  }
0x73: {  	_ =	shalt  }
0x74: {  	_ =	shalt  }
0x75: {  	_ =	shalt  }
0x76: {  	_ =	shalt  }
0x77: {  	_ =	shalt  }
0x78: {  	_ =	shalt  }
0x79: {  	_ =	shalt  }
0x7a: {  	_ =	shalt  }
0x7b: {  	_ =	shalt  }
0x7c: {  	_ =	shalt  }
0x7d: {  	_ =	shalt  }
0x7e: {  	_ =	shalt  }
0x7f: {  	_ =	shalt  }
0x80: {  	_ =	shalt  }
0x81: {  	_ =	shalt  }
0x82: {  	_ =	shalt  }
0x83: {  	_ =	shalt  }
0x84: {  	_ =	shalt  }
0x85: {  	_ =	shalt  }
0x86: {  	_ =	shalt  }
0x87: {  	_ =	shalt  }
.Lfunc_end0:
.L_simem_size_0:
called_computation.1_lowered:
.L_overlay_start_0:
0x88: {  	s2 =	sld [smem:$0x3FD9]  }
0x89: {  	s3 =	sld [smem:$0x3FFE];
	_ =	sdelay $0x1  }
0x8a: {  	s1 =	srdreg.scid  }
0x8b: {  	s0 =	sand.u32 $0x1, s1  }
0x8c: {  	s17 =	sshll.u32 s0, $0xA;
	s2 =	sadd.s32 s3, s2  }
0x8d: {  	s2 =	sadd.s32 s2, s17  }
0x8e: {  	[smem:$0x3FC2] =	sst s2  }
0x8f: {  	_ = 	snop  }
0x90: {  	s2 =	sld [smem:$0x3FD0];
	(tm) =	ssettm $0x1  }
0x91: {  	s18 =	sld [smem:$0x3FFB];
	_ =	sdelay $0x3  }
0x92: {  	_ =	strace s18  }
0x93: {  	s3 =	sld [smem:$0x3FFC];
	_ =	sdelay $0x3  }
0x94: {  	_ =	strace s3  }
0x95: {  	s3 =	sld [smem:$0x3FFD];
	_ =	sdelay $0x3  }
0x96: {  	_ =	strace s3  }
0x97: {  	_ =	strace $0x8FFFFFFF  }
0x98: {  	s19 =	sld [smem:$0x3FDB];
	_ =	sdelay $0x1  }
0x99: {  	s4 =	simm.s32 $_scs_section_size  }
0x9a: {  	s5 =	simm.s32 $_size__tile_overlayer_lowered;
	s6 =	simm.s32 $_tile_overlayer_lowered  }
0x9b: {  	s22 =	simm.s32 $0x1BFF;
	s21 =	sshll.u32 s6, $0x1;
	s3 =	sadd.s32 s4, s19  }
0x9c: {  	s7 =	simm.s32 $0x0;
	s20 =	sshll.u32 s5, $0x1;
	s5 =	sadd.s32 s21, s3  }
0x9d: {  	[timem:s7], [sflag:s22] =	dma.local [hbm:s5], s20  }
0x9e: {  	_ =	swait.ge [sflag:s22], s20  }
0x9f: {  	s4 =	ssub.s32 $0x0, s20;
	[sflag:s22] =	ssyncset.done $0x0  }
0xa0: {  	[sflag:s22] =	ssyncadd.s32 s4;
	_ =	sdelay $0x1  }
0xa1: {  	s23 =	simm.s32 $0x1B8B  }
0xa2: {  	_ =	swait.ge [sflag:s23], $0x1  }
0xa3: {  	[sflag:s23] =	ssyncset.done $0x0  }
0xa4: {  	s25 =	simm.s32 $0x1B8E;
	s24 =	sld [smem:$0x3FFE];
	[sflag:s23] =	ssyncadd.s32 $0xFFFFFFFF  }
0xa5: {  	s26 =	simm.s32 $execute0_lowered;
	[smem:$0x3FD2] =	sst s25  }
0xa6: {  	s5 =	sshll.u32 s26, $0x1;
	_ =	strace $0x80000049;
	[dreg:$0x1] =	wrdreg $0xFFFFFFFF  }
0xa7: {  	s28 =	simm.s32 $_size_execute0_lowered;
	s3 =	sadd.s32 s3, s5;
	[dreg:$0x0] =	wrdreg $0x0  }
0xa8: {  	s5 =	sshll.u32 s28, $0x1;
	[dreg:$0x2] =	wrdreg s3  }
0xa9: {  	[dreg:$0x3] =	wrdreg s5  }
0xaa: {  	[dreg:$0x4] =	wrdreg $0xC0  }
0xab: {  	_ =	task [dreg:s7], $0x5FFFF  }
0xac: {  	[dreg:$0x1] =	wrdreg $0xFFFFFFFF  }
0xad: {  	[dreg:$0x0] =	wrdreg $0x60  }
0xae: {  	[dreg:$0x2] =	wrdreg s2  }
0xaf: {  	[dreg:$0x3] =	wrdreg s24  }
0xb0: {  	[dreg:$0x4] =	wrdreg $0xB7800  }
0xb1: {  	[dreg:$0x5] =	wrdreg $0x9  }
0xb2: {  	_ =	task.clear_ibuf [dreg:s7], $0x6FFFF;
	_ =	strace $0x90000049  }
0xb3: {  	s29 =	simm.s32 $0x9;
	_ =	strace $0x8000004B  }
0xb4: {  	_ =	swait.ge [sflag:s29], $0x1  }
0xb5: {  	[sflag:s29] =	ssyncadd.s32 $0xFFFFFFFF  }
0xb6: {  	_ =	strace $0x9000004B  }
0xb7: {  	_ =	sfence  }
0xb8: {  	s30 =	sld [smem:$0x0];
	_ =	sdelay $0x2  }
0xb9: {  	s31 =	sshll.u32 s1, $0xD;
	s1 =	sshrl.u32 s1, $0x2  }
0xba: {  	s3 =	sand.u32 $0x4000, s31;
	s1 =	sadd.s32 s1, s30  }
0xbb: {  	s0 =	sor.u32 s3, s0;
	s1 =	sshll.u32 s1, $0x11  }
0xbc: {  	s0 =	sor.u32 s1, s0  }
0xbd: {  	s0 =	sadd.s32 $0x8F2B, s0  }
0xbe: {  	[sflag:s0] =	ssyncadd.remote.s32 $0x1  }
0xbf: {  	_ =	sfence.sel $0xFFFF  }
0xc0: {  	[dreg:$0x0] =	wrdreg $0xFFFFFFFF;
	(pc) =	sbr.abs _section_cstart, $3  }
0xc1: {  	[dreg:$0x1] =	wrdreg $0xFFFFFFFF  }
0xc2: {  	_ =	task.clear_ibuf [dreg:s7], $0x2FFFF;
	_ =	strace $0x9FFFFFFF  }
0xc3: {  	(tm) =	ssettm $0x7FFFFFFF  }
tec
execute0_lowered:
.L_overlay_start_1:
0x0: {  	(tag) =	ssettag $0x1  }
0x1: {  	s1 =	rddreg [dreg:$0x0]  }
0x2: {  	s0 =	srdreg.scid;
	s5 =	rddreg [dreg:$0x1]  }
0x3: {  	s8 =	stileid.u32;
	s3 =	rddreg [dreg:$0x2];
	s30 =	simm.s32 $0x50  }
0x4: {  	s31 =	simm.s32 $0x8F80;
	s0 =	sand.u32 $0x1, s0;
	s11 =	smul.u32 $0x50000, s8  }
0x5: {  	s7 =	sshll.u32 s8, $0x7;
	s14 =	smul.u32 $0x14000, s8;
	s22 =	sadd.s32 $0x35C00, s5  }
0x6: {  	s2 =	sshll.u32 s0, $0x4;
	s7 =	sand.u32 $0x380, s7;
	s12 =	ssub.s32 $0x2, s0  }
0x7: {  	s0 =	smul.u32 $0x140000, s0;
	s2 =	sor.u32 s8, s2;
	s15 =	sshrl.u32 s12, $0x1  }
0x8: {  	s17 =	sadd.s32 $0x5000, s14;
	s18 =	sadd.s32 $0x7800, s14;
	s19 =	sadd.s32 $0xA000, s14  }
0x9: {  	s20 =	sadd.s32 $0xC800, s14;
	s21 =	sadd.s32 $0xF000, s14;
	s24 =	sadd.s32 $0x11800, s14  }
0xa: {  	s4 =	sshrl.u32 s2, $0x3;
	s2 =	sshll.u32 s2, $0xB;
	s23 =	ssub.s32 s12, s15  }
0xb: {  	s15 =	sor.u32 $0x2800, s14;
	s8 =	sadd.s32 s18, s3;
	s9 =	sadd.s32 s19, s3  }
0xc: {  	s10 =	sadd.s32 s20, s3;
	s12 =	sadd.s32 s24, s3;
	s14 =	sadd.s32 s14, s0  }
0xd: {  	s19 =	sadd.s32 s0, s19;
	s28 =	sadd.s32 s0, s20;
	s29 =	sadd.s32 s0, s21  }
0xe: {  	s6 =	smul.u32 $0x13C00, s4;
	s4 =	simm.s32 $0x0;
	s2 =	sadd.s32 s2, s5  }
0xf: {  	s16 =	sshrl.u32 s14, $0x3;
	s25 =	sadd.s32 s0, s15;
	s26 =	sshrl.u32 s19, $0x3  }
0x10: {  	s23 =	smax.u32 s23, $0x1;
	[smem:$0x7FF] =	sst s4;
	s2 =	sadd.s32 $0x12000, s2  }
0x11: {  	s19 =	sadd.s32 s22, s26;
	s6 =	sor.u32 s7, s6;
	_ =	strace $0x8000004A  }
0x12: {  	s7 =	sadd.s32 s17, s3;
	s17 =	sadd.s32 s0, s17;
	s6 =	sshrl.u32 s6, $0x3  }
0x13: {  	[dreg:$0x5] =	wrdreg s2;
	s2 =	sshrl.u32 s17, $0x3;
	s13 =	sadd.s32 s6, s5  }
0x14: {  	s6 =	sshrl.u32 s11, $0x2;
	s11 =	sadd.s32 s21, s3;
	s17 =	sadd.s32 s22, s2  }
0x15: {  	s2 =	sshrl.u32 s28, $0x3;
	s21 =	sshrl.u32 s29, $0x3;
	s5 =	sadd.s32 s6, s3  }
0x16: {  	s6 =	sadd.s32 s15, s3;
	s13 =	sadd.s32 $0x22000, s13;
	s15 =	sadd.s32 s22, s16  }
0x17: {  	s16 =	sshrl.u32 s25, $0x3;
	s25 =	sadd.s32 s0, s18;
	s0 =	sadd.s32 s0, s24  }
0x18: {  	s20 =	sadd.s32 s22, s2;
	s21 =	sadd.s32 s22, s21;
	s24 =	simm.s32 $0x6780  }
0x19: {  	s2 =	simm.s32 $0x1;
	[dreg:$0x4] =	wrdreg s13;
	s16 =	sadd.s32 s22, s16  }
0x1a: {  	s18 =	sshrl.u32 s25, $0x3;
	s0 =	sshrl.u32 s0, $0x3;
	s25 =	simm.s32 $0x3  }
0x1b: {  	v0 =	vimm.f32 $0.0e+00;
	s18 =	sadd.s32 s22, s18;
	s22 =	sadd.s32 s22, s0;
	s0 =	simm.s32 $0x2  }
.LBB2_1:
0x1c: {  	s26 =	simm.s32 $0x0;
	s28 =	simm.s32 $0x200  }
.LBB2_2:
0x1d: {  	p0 =	sne.s32 s28, $0x9E00;
	[tilespmem:s26+$0x67F0] =	vst v0  }
0x1e: {  	[tilespmem:s26+$0x6780] =	vst v0  }
0x1f: {  	[tilespmem:s26+$0x6790] =	vst v0  }
.Ltmp0:
0x20: {  	[tilespmem:s26+$0x67A0] =	vst v0;
	(pc) =	sbr.rel @p0 .LBB2_2-.Ltmp0, $4  }
0x21: {  	[tilespmem:s26+$0x67B0] =	vst v0  }
0x22: {  	[tilespmem:s26+$0x67C0] =	vst v0  }
0x23: {  	[tilespmem:s26+$0x67D0] =	vst v0  }
0x24: {  	[tilespmem:s26+$0x67E0] =	vst v0;
	s26 =	sshra.s32 s28, $0x2;
	s28 =	sadd.s32 $0x200, s28  }
0x25: {  	[tilespmem:s26+$0x67F0] =	vst v0  }
0x26: {  	[tilespmem:s26+$0x6780] =	vst v0  }
0x27: {  	[tilespmem:s26+$0x6790] =	vst v0  }
0x28: {  	[tilespmem:s26+$0x67A0] =	vst v0  }
0x29: {  	[tilespmem:s26+$0x67B0] =	vst v0  }
0x2a: {  	[tilespmem:s26+$0x67C0] =	vst v0  }
0x2b: {  	[tilespmem:s26+$0x67D0] =	vst v0  }
0x2c: {  	[tilespmem:s26+$0x67E0] =	vst v0  }
0x2d: {  	[spmem:s5] =	stream.linear.scatter [tilespmem:s24], [sflag:$0x3], $0x2800, $0x38;
	[tilespmem:$0x1F780] =	vst v63  }
0x2e: {  	_ =	swait.ge [sflag:s25], $0x2800  }
0x2f: {  	[sflag:s25] =	ssyncset.done $0x0  }
0x30: {  	[sflag:s25] =	ssyncadd.s32 $0xFFFFD800  }
0x31: {  	[spmem:s6] =	stream.linear.scatter [tilespmem:s24], [sflag:$0x3], $0x2800, $0x38;
	[tilespmem:$0x1F780] =	vst v63  }
0x32: {  	_ =	swait.ge [sflag:s25], $0x2800  }
0x33: {  	[sflag:s25] =	ssyncset.done $0x0  }
0x34: {  	[sflag:s25] =	ssyncadd.s32 $0xFFFFD800  }
0x35: {  	[spmem:s7] =	stream.linear.scatter [tilespmem:s24], [sflag:$0x3], $0x2800, $0x38;
	[tilespmem:$0x1F780] =	vst v63  }
0x36: {  	_ =	swait.ge [sflag:s25], $0x2800  }
0x37: {  	[sflag:s25] =	ssyncset.done $0x0  }
0x38: {  	[sflag:s25] =	ssyncadd.s32 $0xFFFFD800  }
0x39: {  	[spmem:s8] =	stream.linear.scatter [tilespmem:s24], [sflag:$0x3], $0x2800, $0x38;
	[tilespmem:$0x1F780] =	vst v63  }
0x3a: {  	_ =	swait.ge [sflag:s25], $0x2800  }
0x3b: {  	[sflag:s25] =	ssyncset.done $0x0  }
0x3c: {  	[sflag:s25] =	ssyncadd.s32 $0xFFFFD800  }
0x3d: {  	[spmem:s9] =	stream.linear.scatter [tilespmem:s24], [sflag:$0x3], $0x2800, $0x38;
	[tilespmem:$0x1F780] =	vst v63  }
0x3e: {  	_ =	swait.ge [sflag:s25], $0x2800  }
0x3f: {  	[sflag:s25] =	ssyncset.done $0x0  }
0x40: {  	[sflag:s25] =	ssyncadd.s32 $0xFFFFD800  }
0x41: {  	[spmem:s10] =	stream.linear.scatter [tilespmem:s24], [sflag:$0x3], $0x2800, $0x38;
	[tilespmem:$0x1F780] =	vst v63  }
0x42: {  	_ =	swait.ge [sflag:s25], $0x2800  }
0x43: {  	[sflag:s25] =	ssyncset.done $0x0  }
0x44: {  	[sflag:s25] =	ssyncadd.s32 $0xFFFFD800  }
0x45: {  	[spmem:s11] =	stream.linear.scatter [tilespmem:s24], [sflag:$0x3], $0x2800, $0x38;
	[tilespmem:$0x1F780] =	vst v63  }
0x46: {  	_ =	swait.ge [sflag:s25], $0x2800  }
0x47: {  	[sflag:s25] =	ssyncset.done $0x0  }
0x48: {  	[sflag:s25] =	ssyncadd.s32 $0xFFFFD800  }
0x49: {  	[spmem:s12] =	stream.linear.scatter [tilespmem:s24], [sflag:$0x3], $0x2800, $0x38;
	[tilespmem:$0x1F780] =	vst v63  }
0x4a: {  	_ =	swait.ge [sflag:s25], $0x2800  }
0x4b: {  	[sflag:s25] =	ssyncset.done $0x0  }
0x4c: {  	[sflag:s25] =	ssyncadd.s32 $0xFFFFD800  }
0x4d: {  	s26 =	simm.s32 $0x0;
	[bflag:$0x0] =	sbarrier.arrive $0xFFFF  }
0x4e: {  	s14 =	simm.s32 $0x80;
	s28 =	simm.s32 $0x400;
	s13 =	rddreg [dreg:$0x4]  }
0x4f: {  	[tilespmem:s26], [sflag:$0x3] =	stream.strided.gather [hbm4b:s13+s14], $0x2780, s28, s14, $0x38;
	[tilespmem:$0x1F780] =	vst v63  }
0x50: {  	_ =	swait.ge [sflag:s25], $0x2780  }
0x51: {  	[sflag:s25] =	ssyncset.done $0x0  }
0x52: {  	s14 =	simm.s32 $0x2780;
	s13 =	rddreg [dreg:$0x5];
	[sflag:s25] =	ssyncadd.s32 $0xFFFFD880  }
0x53: {  	[tilespmem:s14], [sflag:$0x3] =	stream.linear.gather [hbm4b:s13+s26], $0x3E80, $0x38;
	[tilespmem:$0x1F780] =	vst v63  }
0x54: {  	_ =	swait.ge [sflag:s25], $0x3E80  }
0x55: {  	[sflag:s25] =	ssyncset.done $0x0  }
0x56: {  	[sflag:s25] =	ssyncadd.s32 $0xFFFFC180  }
0x57: {  	[tilespmem:s24], [sflag:$0x1] =	stream.indirect.gather [hbm4b:s1+s30], $0x80, s26, s30, $0xb8;
	[tilespmem:$0x1F780] =	vst v63  }
0x58: {  	s13 =	simm.s32 $0x50  }
0x59: {  	[tilespmem:s31], [sflag:$0x2] =	stream.indirect.gather [hbm4b:s1+s30], $0x80, s13, s30, $0xb8;
	[tilespmem:$0x1F780] =	vst v63  }
0x5a: {  	_ =	swait.ge [sflag:s2], $0x2800  }
0x5b: {  	[sflag:s2] =	ssyncset.done $0x0  }
0x5c: {  	s14 =	simm.s32 $0x2780;
	[sflag:s2] =	ssyncadd.s32 $0xFFFFD800  }
0x5d: {  	[spmem:s3] =	stream.indirect.scatter.add.f32 [tilespmem:s24], [sflag:$0x3], $0x80, s14, s30, $0xb8;
	[tilespmem:$0x1F780] =	vst v63  }
0x5e: {  	_ =	swait.ge [sflag:s25], $0x2800  }
0x5f: {  	[sflag:s25] =	ssyncset.done $0x0  }
0x60: {  	s13 =	simm.s32 $0xA0;
	[sflag:s25] =	ssyncadd.s32 $0xFFFFD800  }
0x61: {  	[tilespmem:s24], [sflag:$0x1] =	stream.indirect.gather [hbm4b:s1+s30], $0x80, s13, s30, $0xb8;
	[tilespmem:$0x1F780] =	vst v63  }
0x62: {  	_ =	swait.ge [sflag:s0], $0x2800  }
0x63: {  	[sflag:s0] =	ssyncset.done $0x0  }
0x64: {  	s14 =	simm.s32 $0x2800;
	[sflag:s0] =	ssyncadd.s32 $0xFFFFD800  }
0x65: {  	[spmem:s3] =	stream.indirect.scatter.add.f32 [tilespmem:s31], [sflag:$0x3], $0x80, s14, s30, $0xb8;
	[tilespmem:$0x1F780] =	vst v63  }
0x66: {  	s29 =	simm.s32 $0x400;
	_ =	swait.ge [sflag:s25], $0x2800  }
0x67: {  	s28 =	simm.s32 $0x140;
	s26 =	simm.s32 $0x800;
	[sflag:s25] =	ssyncset.done $0x0  }
.LBB2_4:
0x68: {  	p0 =	sne.s32 s26, $0xF400;
	s13 =	sadd.s32 $0xFFFFFFB0, s28;
	[sflag:s25] =	ssyncadd.s32 $0xFFFFD800  }
0x69: {  	[tilespmem:s31], [sflag:$0x2] =	stream.indirect.gather [hbm4b:s1+s30], $0x80, s13, s30, $0xb8;
	[tilespmem:$0x1F780] =	vst v63  }
0x6a: {  	s13 =	smov.u32 s26;
	s26 =	sadd.s32 $0x400, s26;
	_ =	swait.ge [sflag:s2], $0x2800  }
0x6b: {  	s14 =	sshra.s32 s29, $0x2;
	s29 =	smov.u32 s13;
	[sflag:s2] =	ssyncset.done $0x0  }
0x6c: {  	s13 =	sadd.s32 $0x2780, s14;
	[sflag:s2] =	ssyncadd.s32 $0xFFFFD800  }
0x6d: {  	[spmem:s3] =	stream.indirect.scatter.add.f32 [tilespmem:s24], [sflag:$0x3], $0x80, s13, s30, $0xb8;
	[tilespmem:$0x1F780] =	vst v63  }
0x6e: {  	_ =	swait.ge [sflag:s25], $0x2800  }
0x6f: {  	[sflag:s25] =	ssyncset.done $0x0  }
0x70: {  	[sflag:s25] =	ssyncadd.s32 $0xFFFFD800  }
0x71: {  	[tilespmem:s24], [sflag:$0x1] =	stream.indirect.gather [hbm4b:s1+s30], $0x80, s28, s30, $0xb8;
	[tilespmem:$0x1F780] =	vst v63  }
0x72: {  	_ =	swait.ge [sflag:s0], $0x2800  }
.Ltmp1:
0x73: {  	[sflag:s0] =	ssyncset.done $0x0;
	(pc) =	sbr.rel @p0 .LBB2_4-.Ltmp1, $4  }
0x74: {  	s13 =	sadd.s32 $0x2800, s14;
	[sflag:s0] =	ssyncadd.s32 $0xFFFFD800  }
0x75: {  	[spmem:s3] =	stream.indirect.scatter.add.f32 [tilespmem:s31], [sflag:$0x3], $0x80, s13, s30, $0xb8;
	[tilespmem:$0x1F780] =	vst v63  }
0x76: {  	_ =	swait.ge [sflag:s25], $0x2800  }
0x77: {  	s28 =	sadd.s32 $0xA0, s28;
	[sflag:s25] =	ssyncset.done $0x0  }
0x78: {  	s13 =	sadd.s32 $0xFFFFFFB0, s28;
	[sflag:s25] =	ssyncadd.s32 $0xFFFFD800  }
0x79: {  	[tilespmem:s31], [sflag:$0x2] =	stream.indirect.gather [hbm4b:s1+s30], $0x80, s13, s30, $0xb8;
	[tilespmem:$0x1F780] =	vst v63  }
0x7a: {  	_ =	swait.ge [sflag:s2], $0x2800  }
0x7b: {  	s29 =	sshra.s32 s29, $0x2;
	[sflag:s2] =	ssyncset.done $0x0  }
0x7c: {  	s14 =	sadd.s32 $0x2780, s29;
	[sflag:s2] =	ssyncadd.s32 $0xFFFFD800  }
0x7d: {  	[spmem:s3] =	stream.indirect.scatter.add.f32 [tilespmem:s24], [sflag:$0x3], $0x80, s14, s30, $0xb8;
	[tilespmem:$0x1F780] =	vst v63  }
0x7e: {  	_ =	swait.ge [sflag:s25], $0x2800  }
0x7f: {  	[sflag:s25] =	ssyncset.done $0x0  }
0x80: {  	[sflag:s25] =	ssyncadd.s32 $0xFFFFD800  }
0x81: {  	[tilespmem:s24], [sflag:$0x1] =	stream.indirect.gather [hbm4b:s1+s30], $0x80, s28, s30, $0xb8;
	[tilespmem:$0x1F780] =	vst v63  }
0x82: {  	_ =	swait.ge [sflag:s0], $0x2800  }
0x83: {  	[sflag:s0] =	ssyncset.done $0x0  }
0x84: {  	s13 =	sadd.s32 $0x2800, s29;
	[sflag:s0] =	ssyncadd.s32 $0xFFFFD800  }
0x85: {  	[spmem:s3] =	stream.indirect.scatter.add.f32 [tilespmem:s31], [sflag:$0x3], $0x80, s13, s30, $0xb8;
	[tilespmem:$0x1F780] =	vst v63  }
0x86: {  	_ =	swait.ge [sflag:s25], $0x2800  }
0x87: {  	[sflag:s25] =	ssyncset.done $0x0  }
0x88: {  	[sflag:s25] =	ssyncadd.s32 $0xFFFFD800  }
0x89: {  	_ =	swait.ge [sflag:s2], $0x2800  }
0x8a: {  	[sflag:s2] =	ssyncset.done $0x0  }
0x8b: {  	s14 =	simm.s32 $0x6580;
	[sflag:s2] =	ssyncadd.s32 $0xFFFFD800  }
0x8c: {  	[spmem:s3] =	stream.indirect.scatter.add.f32 [tilespmem:s24], [sflag:$0x3], $0x80, s14, s30, $0xb8;
	[tilespmem:$0x1F780] =	vst v63  }
0x8d: {  	_ =	swait.ge [sflag:s25], $0x2800  }
0x8e: {  	s26 =	stileid.u32;
	[sflag:s25] =	ssyncset.done $0x0  }
0x8f: {  	s13 =	sshll.u32 s26, $0x6;
	[sflag:s25] =	ssyncadd.s32 $0xFFFFD800  }
0x90: {  	s28 =	sshrl.u32 s5, $0x3;
	s13 =	sor.u32 $0x1C03, s13;
	[bflag:$0x0] =	sbarrier.arrive $0xFFFF  }
0x91: {  	[hbm:s15], [sflag:s13] =	dma.local [spmem:s28], $0x500  }
0x92: {  	_ =	swait.ge [sflag:s25], $0x500  }
0x93: {  	[sflag:s25] =	ssyncset.done $0x0  }
0x94: {  	s29 =	sshrl.u32 s6, $0x3;
	[sflag:s25] =	ssyncadd.s32 $0xFFFFFB00  }
0x95: {  	[hbm:s16], [sflag:s13] =	dma.local [spmem:s29], $0x500  }
0x96: {  	_ =	swait.ge [sflag:s25], $0x500  }
0x97: {  	[sflag:s25] =	ssyncset.done $0x0  }
0x98: {  	s26 =	sshrl.u32 s7, $0x3;
	[sflag:s25] =	ssyncadd.s32 $0xFFFFFB00  }
0x99: {  	[hbm:s17], [sflag:s13] =	dma.local [spmem:s26], $0x500  }
0x9a: {  	_ =	swait.ge [sflag:s25], $0x500  }
0x9b: {  	[sflag:s25] =	ssyncset.done $0x0  }
0x9c: {  	s28 =	sshrl.u32 s8, $0x3;
	[sflag:s25] =	ssyncadd.s32 $0xFFFFFB00  }
0x9d: {  	[hbm:s18], [sflag:s13] =	dma.local [spmem:s28], $0x500  }
0x9e: {  	_ =	swait.ge [sflag:s25], $0x500  }
0x9f: {  	[sflag:s25] =	ssyncset.done $0x0  }
0xa0: {  	s29 =	sshrl.u32 s9, $0x3;
	[sflag:s25] =	ssyncadd.s32 $0xFFFFFB00  }
0xa1: {  	[hbm:s19], [sflag:s13] =	dma.local [spmem:s29], $0x500  }
0xa2: {  	_ =	swait.ge [sflag:s25], $0x500  }
0xa3: {  	[sflag:s25] =	ssyncset.done $0x0  }
0xa4: {  	s26 =	sshrl.u32 s10, $0x3;
	[sflag:s25] =	ssyncadd.s32 $0xFFFFFB00  }
0xa5: {  	[hbm:s20], [sflag:s13] =	dma.local [spmem:s26], $0x500  }
0xa6: {  	_ =	swait.ge [sflag:s25], $0x500  }
0xa7: {  	[sflag:s25] =	ssyncset.done $0x0  }
0xa8: {  	s28 =	sshrl.u32 s11, $0x3;
	[sflag:s25] =	ssyncadd.s32 $0xFFFFFB00  }
0xa9: {  	[hbm:s21], [sflag:s13] =	dma.local [spmem:s28], $0x500  }
0xaa: {  	s4 =	sadd.s32 $0x1, s4;
	_ =	swait.ge [sflag:s25], $0x500  }
0xab: {  	p0 =	sne.s32 s4, s23;
	[sflag:s25] =	ssyncset.done $0x0  }
.Ltmp2:
0xac: {  	s29 =	sshrl.u32 s12, $0x3;
	[sflag:s25] =	ssyncadd.s32 $0xFFFFFB00;
	(pc) =	sbr.rel @p0 .LBB2_1-.Ltmp2, $4  }
0xad: {  	[hbm:s22], [sflag:s13] =	dma.local [spmem:s29], $0x500  }
0xae: {  	_ =	swait.ge [sflag:s25], $0x500  }
0xaf: {  	[sflag:s25] =	ssyncset.done $0x0  }
0xb0: {  	[sflag:s25] =	ssyncadd.s32 $0xFFFFFB00  }
0xb1: {  	_ =	sfence.sel $0x180000  }
0xb2: {  	[bflag:$0x0] =	sbarrier.arrive $0xFFFF  }
0xb3: {  	_ =	strace $0x9000004A  }
0xb4: {  	s0 =	stileid.u32;
	[bflag:$0x2] =	sbarrier.arrive $0xFFFF  }
0xb5: {  	p0 =	sne.s32 s0, $0x0;
	s0 =	rddreg [dreg:$0x3]  }
0xb6: {  	s0 =	sadd.s32 @!p0 $0x100000, s0  }
0xb7: {  	[sflag:s0] =	ssyncadd.tile.s32 @!p0 $0x1;
	_ =	shalt  }
.Lfunc_end2:
_tile_overlayer_lowered:
.L_overlay_start_2:
0xb8: {  	(tag) =	ssettag $0x2  }
0xb9: {  	s0 =	rddreg [dreg:$0x0];
	s2 =	stileid.u32  }
0xba: {  	s1 =	rddreg [dreg:$0x1];
	p0 =	sne.s32 s2, $0x0  }
0xbb: {  	s3 =	rddreg [dreg:$0x2];
	[bflag:$0x3] =	sbarrier.arrive $0xFFFF;
	s2 =	simm.s32 @!p0 $0x1C03  }
0xbc: {  	[timem:s3], [sflag:s2] =	dma.local @!p0 [hbm:s0], s1  }
0xbd: {  	s0 =	simm.s32 @!p0 $0x3  }
0xbe: {  	_ =	swait.ge @!p0 [sflag:s0], s1  }
0xbf: {  	s1 =	ssub.s32 @!p0 $0x0, s1;
	[sflag:s0] =	ssyncset.done @!p0 $0x0  }
0xc0: {  	[sflag:s0] =	ssyncadd.s32 @!p0 s1  }
0xc1: {  	[bflag:$0x3] =	sbarrier.arrive $0xFFFF  }
0xc2: {  	_ =	shalt  }

</sc_bundles>
